<compile_context>
chip_gen: v7x
topology: tpu7x:2x2x1
jax: 0.10.2.dev20260603
libtpu: 0.0.44.dev20260713+nightly
codegen_flags: <defaults>
</compile_context>

<pallas_src>
import functools

import jax
import jax.numpy as jnp
from jax import lax
from jax.experimental import pallas as pl
from jax.experimental.pallas import tpu as pltpu
from jax.experimental.pallas import tpu_sc as plsc


@functools.lru_cache(maxsize=None)
def _build_gather(B, K, D):
    info = plsc.get_sparse_core_info()
    NC, NS = info.num_cores, info.num_subcores
    NW = NC * NS
    assert B % (8 * NW) == 0
    b_per_w = B // NW
    DP = 128
    n_chunks, nbuf = 8, 4
    assert b_per_w % n_chunks == 0
    chunk = b_per_w // n_chunks
    assert chunk % 8 == 0
    mesh = plsc.VectorSubcoreMesh(core_axis_name="c", subcore_axis_name="s")

    @functools.partial(
        pl.kernel,
        mesh=mesh,
        out_type=jax.ShapeDtypeStruct((B, DP), jnp.float32),
        scratch_types=[
            pltpu.VMEM((b_per_w,), jnp.int32),
            pltpu.VMEM((nbuf, chunk, DP), jnp.float32),
            pltpu.VMEM_SHARED((K, DP), jnp.float32),
            pltpu.SemaphoreType.DMA,
            pltpu.SemaphoreType.DMA,
            pltpu.SemaphoreType.DMA,
            pltpu.SemaphoreType.DMA,
        ],
        compiler_params=pltpu.CompilerParams(
            skip_device_barrier=True,
            disable_bounds_checks=True,
            disable_semaphore_checks=True,
        ),
    )
    def gather_kernel(y_hbm, table_hbm, out_hbm, idx_v, rows_v, table_sp,
                      isem, ssem, gsem, wsem):
        sid = lax.axis_index("s")
        wid = sid * NC + lax.axis_index("c")
        base = wid * b_per_w

        idx_cp = pltpu.make_async_copy(
            y_hbm.at[pl.ds(base, b_per_w)], idx_v, isem
        )
        idx_cp.start()

        @pl.when(sid < 15)
        def _stage_lo():
            pltpu.sync_copy(
                table_hbm.at[pl.ds(sid * 64, 64)],
                table_sp.at[pl.ds(sid * 64, 64)],
            )

        @pl.when(sid == 15)
        def _stage_hi():
            pltpu.sync_copy(
                table_hbm.at[pl.ds(960, K - 960)],
                table_sp.at[pl.ds(960, K - 960)],
            )

        plsc.subcore_barrier()
        idx_cp.wait()

        def _gather(c):
            return pltpu.make_async_copy(
                table_sp.at[idx_v.at[pl.ds(c * chunk, chunk)]],
                rows_v.at[c % nbuf],
                gsem,
            )

        def _write(c):
            return pltpu.make_async_copy(
                rows_v.at[c % nbuf],
                out_hbm.at[pl.ds(base + c * chunk, chunk)],
                wsem,
            )

        for c in range(nbuf):
            _gather(c).start()
        for c in range(n_chunks):
            _gather(c).wait()
            _write(c).start()
            if c + nbuf < n_chunks:
                _write(c).wait()
                _gather(c + nbuf).start()
        for c in range(n_chunks - nbuf, n_chunks):
            _write(c).wait()

    return gather_kernel


def kernel(y, codebook):
    (B,) = y.shape
    K, D = codebook.shape
    DP = 128
    table = jnp.concatenate(
        [codebook, jnp.zeros((K, DP - D), jnp.float32)], axis=1
    )
    out = _build_gather(B, K, D)(y, table)
    return out[:, :D]

# --- scband reference (transcript-rebuilt; emitter-appended) ---
"""Pipeline reference for scband-mettes-code-45938970198478 (READ-ONLY COPY).

The authoritative reference and input builder live on the scoring server;
editing this copy changes nothing except your own understanding.
"""

import jax, jax.numpy as jnp
import numpy as np

NUM_CLASSES = 1000
LATENT_DIM = 64
BATCH = 16384


def setup_inputs(seed: int = 0) -> dict:
    key = jax.random.key(seed)
    k1, k2 = jax.random.split(key)
    # The torch module optimizes prototypes on the hypersphere at __init__ time.
    # For the forward pass the codebook is simply a fixed [K, D] parameter of
    # unit-norm rows; we materialize it as L2-normalized gaussian rows.
    codebook = jax.random.normal(k1, (NUM_CLASSES, LATENT_DIM), dtype=jnp.float32)
    codebook = codebook / jnp.linalg.norm(codebook, ord=2, axis=1, keepdims=True)
    y = jax.random.randint(k2, (BATCH,), 0, NUM_CLASSES, dtype=jnp.int32)
    return {"y": y, "codebook": codebook}


def reference(y, codebook):
    # forward(y): return self.codebook[y]  -- a pure embedding gather
    return jnp.take(codebook, y, axis=0)

if __name__ == "__main__":
    import jax
    _d = setup_inputs()
    print(jax.jit(kernel)(*tuple(_d.values())))

</pallas_src>

<mosaic_0001>
#map = affine_map<(d0, d1) -> (0)>
#map1 = affine_map<(d0, d1) -> (0, 0)>
module attributes {stable_mosaic.version = 14 : i64} {
  func.func @gather_kernel(%arg0: i32, %arg1: i32, %arg2: memref<16384xi32, #tpu.memory_space<hbm>>, %arg3: memref<1000x128xf32, #tpu.memory_space<hbm>>, %arg4: memref<16384x128xf32, #tpu.memory_space<hbm>>, %arg5: memref<512xi32, #tpu.memory_space<vmem>>, %arg6: memref<4x64x128xf32, #tpu.memory_space<vmem>>, %arg7: memref<1000x128xf32, #tpu.memory_space<vmem_shared>>, %arg8: memref<!tpu.dma_semaphore, #tpu.memory_space<semaphore_mem>>, %arg9: memref<!tpu.dma_semaphore, #tpu.memory_space<semaphore_mem>>, %arg10: memref<!tpu.dma_semaphore, #tpu.memory_space<semaphore_mem>>, %arg11: memref<!tpu.dma_semaphore, #tpu.memory_space<semaphore_mem>>) attributes {dimension_semantics = [#tpu.dimension_semantics<core_parallel>, #tpu.dimension_semantics<subcore_parallel>], iteration_bounds = array<i64: 2, 16>, scalar_prefetch = 0 : i64, scratch_operands = 7 : i64, tpu.core_type = #tpu.core_type<sc_vector_subcore>, window_params = [{transform_indices = #map}, {transform_indices = #map1}, {transform_indices = #map1}]} {
    %mul3A = arith.constant 2 : i32
    %mul3A_0 = arith.muli %arg1, %mul3A : i32
    %add3A = arith.addi %mul3A_0, %arg0 : i32
    %mul3A_1 = arith.constant 512 : i32
    %mul3A_2 = arith.muli %add3A, %mul3A_1 : i32
    %dma_start3A = tpu.memref_slice %arg2[%mul3A_2] : memref<16384xi32, #tpu.memory_space<hbm>> -> memref<512xi32, #tpu.memory_space<hbm>>
    %dma_start3A_3 = tpu.memref_slice %arg2[%mul3A_2] : memref<16384xi32, #tpu.memory_space<hbm>> -> memref<512xi32, #tpu.memory_space<hbm>>
    tpu.enqueue_dma source(%dma_start3A_3 : memref<512xi32, #tpu.memory_space<hbm>>) target(%arg5 : memref<512xi32, #tpu.memory_space<vmem>>) target_semaphore(%arg8 : memref<!tpu.dma_semaphore, #tpu.memory_space<semaphore_mem>>)
    %lt3A = arith.constant 15 : i32
    %lt3A_4 = arith.cmpi slt, %arg1, %lt3A : i32
    %convert_element_type3A = arith.extui %lt3A_4 : i1 to i32
    %cond3A = arith.constant 0 : i32
    %cond3A_5 = arith.cmpi ne, %convert_element_type3A, %cond3A : i32
    scf.if %cond3A_5 {
      %mul3A_411 = arith.constant 64 : i32
      %mul3A_412 = arith.muli %arg1, %mul3A_411 : i32
      %mul3A_413 = arith.constant 64 : i32
      %mul3A_414 = arith.muli %arg1, %mul3A_413 : i32
      "tpu.region"() ({
        %run_scoped3A = tpu.sem_alloc : memref<!tpu.dma_semaphore, #tpu.memory_space<semaphore_mem>>
        %dma_start3A_415 = arith.constant 0 : i32
        %dma_start3A_416 = tpu.memref_slice %arg7[%mul3A_414, %dma_start3A_415] : memref<1000x128xf32, #tpu.memory_space<vmem_shared>> -> memref<64x128xf32, #tpu.memory_space<vmem_shared>>
        %dma_start3A_417 = arith.constant 0 : i32
        %dma_start3A_418 = tpu.memref_slice %arg3[%mul3A_412, %dma_start3A_417] : memref<1000x128xf32, #tpu.memory_space<hbm>> -> memref<64x128xf32, #tpu.memory_space<hbm>>
        tpu.enqueue_dma source(%dma_start3A_418 : memref<64x128xf32, #tpu.memory_space<hbm>>) target(%dma_start3A_416 : memref<64x128xf32, #tpu.memory_space<vmem_shared>>) target_semaphore(%run_scoped3A : memref<!tpu.dma_semaphore, #tpu.memory_space<semaphore_mem>>)
        %dma_wait3A_419 = arith.constant 0 : i32
        %dma_wait3A_420 = tpu.memref_slice %arg7[%mul3A_414, %dma_wait3A_419] : memref<1000x128xf32, #tpu.memory_space<vmem_shared>> -> memref<64x128xf32, #tpu.memory_space<vmem_shared>>
        %dma_wait3A_421 = arith.constant 0 : i32
        %dma_wait3A_422 = tpu.memref_slice %arg3[%mul3A_412, %dma_wait3A_421] : memref<1000x128xf32, #tpu.memory_space<hbm>> -> memref<64x128xf32, #tpu.memory_space<hbm>>
        tpu.wait_dma2 semaphore(%run_scoped3A : memref<!tpu.dma_semaphore, #tpu.memory_space<semaphore_mem>>) src(%dma_wait3A_422 : memref<64x128xf32, #tpu.memory_space<hbm>>) dst(%dma_wait3A_420 : memref<64x128xf32, #tpu.memory_space<vmem_shared>>)
        tpu.yield
      }) : () -> ()
    } else {
    }
    %eq3A = arith.constant 15 : i32
    %eq3A_6 = arith.cmpi eq, %arg1, %eq3A : i32
    %convert_element_type3A_7 = arith.extui %eq3A_6 : i1 to i32
    %cond3A_8 = arith.constant 0 : i32
    %cond3A_9 = arith.cmpi ne, %convert_element_type3A_7, %cond3A_8 : i32
    scf.if %cond3A_9 {
      "tpu.region"() ({
        %run_scoped3A = tpu.sem_alloc : memref<!tpu.dma_semaphore, #tpu.memory_space<semaphore_mem>>
        %dma_start3A_411 = arith.constant 960 : i32
        %dma_start3A_412 = arith.constant 0 : i32
        %dma_start3A_413 = tpu.memref_slice %arg7[%dma_start3A_411, %dma_start3A_412] : memref<1000x128xf32, #tpu.memory_space<vmem_shared>> -> memref<40x128xf32, #tpu.memory_space<vmem_shared>>
        %dma_start3A_414 = arith.constant 960 : i32
        %dma_start3A_415 = arith.constant 0 : i32
        %dma_start3A_416 = tpu.memref_slice %arg3[%dma_start3A_414, %dma_start3A_415] : memref<1000x128xf32, #tpu.memory_space<hbm>> -> memref<40x128xf32, #tpu.memory_space<hbm>>
        tpu.enqueue_dma source(%dma_start3A_416 : memref<40x128xf32, #tpu.memory_space<hbm>>) target(%dma_start3A_413 : memref<40x128xf32, #tpu.memory_space<vmem_shared>>) target_semaphore(%run_scoped3A : memref<!tpu.dma_semaphore, #tpu.memory_space<semaphore_mem>>)
        %dma_wait3A_417 = arith.constant 960 : i32
        %dma_wait3A_418 = arith.constant 0 : i32
        %dma_wait3A_419 = tpu.memref_slice %arg7[%dma_wait3A_417, %dma_wait3A_418] : memref<1000x128xf32, #tpu.memory_space<vmem_shared>> -> memref<40x128xf32, #tpu.memory_space<vmem_shared>>
        %dma_wait3A_420 = arith.constant 960 : i32
        %dma_wait3A_421 = arith.constant 0 : i32
        %dma_wait3A_422 = tpu.memref_slice %arg3[%dma_wait3A_420, %dma_wait3A_421] : memref<1000x128xf32, #tpu.memory_space<hbm>> -> memref<40x128xf32, #tpu.memory_space<hbm>>
        tpu.wait_dma2 semaphore(%run_scoped3A : memref<!tpu.dma_semaphore, #tpu.memory_space<semaphore_mem>>) src(%dma_wait3A_422 : memref<40x128xf32, #tpu.memory_space<hbm>>) dst(%dma_wait3A_419 : memref<40x128xf32, #tpu.memory_space<vmem_shared>>)
        tpu.yield
      }) : () -> ()
    } else {
    }
    %barrier3A = arith.constant 0 : index
    tpu.barrier barrier_id(%barrier3A)
    %dma_wait3A = tpu.memref_slice %arg2[%mul3A_2] : memref<16384xi32, #tpu.memory_space<hbm>> -> memref<512xi32, #tpu.memory_space<hbm>>
    %dma_wait3A_10 = tpu.memref_slice %arg2[%mul3A_2] : memref<16384xi32, #tpu.memory_space<hbm>> -> memref<512xi32, #tpu.memory_space<hbm>>
    tpu.wait_dma2 semaphore(%arg8 : memref<!tpu.dma_semaphore, #tpu.memory_space<semaphore_mem>>) src(%dma_wait3A_10 : memref<512xi32, #tpu.memory_space<hbm>>) dst(%arg5 : memref<512xi32, #tpu.memory_space<vmem>>)
    %dma_start3A_11 = arith.constant 0 : i32
    %dma_start3A_12 = arith.constant 0 : i32
    %dma_start3A_13 = arith.constant 0 : i32
    %dma_start3A_14 = tpu.memref_slice %arg6[%dma_start3A_11, %dma_start3A_12, %dma_start3A_13] : memref<4x64x128xf32, #tpu.memory_space<vmem>> -> memref<1x64x128xf32, #tpu.memory_space<vmem>>
    %dma_start3A_15 = tpu.memref_squeeze %dma_start3A_14 : memref<1x64x128xf32, #tpu.memory_space<vmem>> -> memref<64x128xf32, #tpu.memory_space<vmem>>
    %dma_start3A_16 = arith.constant 0 : i32
    %dma_start3A_17 = tpu.memref_slice %arg5[%dma_start3A_16] : memref<512xi32, #tpu.memory_space<vmem>> -> memref<64xi32, #tpu.memory_space<vmem>>
    %dma_start3A_18 = arith.constant 0 : i32
    %dma_start3A_19 = arith.constant 0 : i32
    %dma_start3A_20 = tpu.memref_slice %arg7[%dma_start3A_18, %dma_start3A_19] : memref<1000x128xf32, #tpu.memory_space<vmem_shared>> -> memref<1000x128xf32, #tpu.memory_space<vmem_shared>>
    tpu.enqueue_indirect_dma source(%dma_start3A_20 : memref<1000x128xf32, #tpu.memory_space<vmem_shared>>) target(%dma_start3A_15 : memref<64x128xf32, #tpu.memory_space<vmem>>) offsets(%dma_start3A_17 : memref<64xi32, #tpu.memory_space<vmem>>) semaphore(%arg10 : memref<!tpu.dma_semaphore, #tpu.memory_space<semaphore_mem>>)
    %dma_start3A_21 = arith.constant 1 : i32
    %dma_start3A_22 = arith.constant 0 : i32
    %dma_start3A_23 = arith.constant 0 : i32
    %dma_start3A_24 = tpu.memref_slice %arg6[%dma_start3A_21, %dma_start3A_22, %dma_start3A_23] : memref<4x64x128xf32, #tpu.memory_space<vmem>> -> memref<1x64x128xf32, #tpu.memory_space<vmem>>
    %dma_start3A_25 = tpu.memref_squeeze %dma_start3A_24 : memref<1x64x128xf32, #tpu.memory_space<vmem>> -> memref<64x128xf32, #tpu.memory_space<vmem>>
    %dma_start3A_26 = arith.constant 64 : i32
    %dma_start3A_27 = tpu.memref_slice %arg5[%dma_start3A_26] : memref<512xi32, #tpu.memory_space<vmem>> -> memref<64xi32, #tpu.memory_space<vmem>>
    %dma_start3A_28 = arith.constant 0 : i32
    %dma_start3A_29 = arith.constant 0 : i32
    %dma_start3A_30 = tpu.memref_slice %arg7[%dma_start3A_28, %dma_start3A_29] : memref<1000x128xf32, #tpu.memory_space<vmem_shared>> -> memref<1000x128xf32, #tpu.memory_space<vmem_shared>>
    tpu.enqueue_indirect_dma source(%dma_start3A_30 : memref<1000x128xf32, #tpu.memory_space<vmem_shared>>) target(%dma_start3A_25 : memref<64x128xf32, #tpu.memory_space<vmem>>) offsets(%dma_start3A_27 : memref<64xi32, #tpu.memory_space<vmem>>) semaphore(%arg10 : memref<!tpu.dma_semaphore, #tpu.memory_space<semaphore_mem>>)
    %dma_start3A_31 = arith.constant 2 : i32
    %dma_start3A_32 = arith.constant 0 : i32
    %dma_start3A_33 = arith.constant 0 : i32
    %dma_start3A_34 = tpu.memref_slice %arg6[%dma_start3A_31, %dma_start3A_32, %dma_start3A_33] : memref<4x64x128xf32, #tpu.memory_space<vmem>> -> memref<1x64x128xf32, #tpu.memory_space<vmem>>
    %dma_start3A_35 = tpu.memref_squeeze %dma_start3A_34 : memref<1x64x128xf32, #tpu.memory_space<vmem>> -> memref<64x128xf32, #tpu.memory_space<vmem>>
    %dma_start3A_36 = arith.constant 128 : i32
    %dma_start3A_37 = tpu.memref_slice %arg5[%dma_start3A_36] : memref<512xi32, #tpu.memory_space<vmem>> -> memref<64xi32, #tpu.memory_space<vmem>>
    %dma_start3A_38 = arith.constant 0 : i32
    %dma_start3A_39 = arith.constant 0 : i32
    %dma_start3A_40 = tpu.memref_slice %arg7[%dma_start3A_38, %dma_start3A_39] : memref<1000x128xf32, #tpu.memory_space<vmem_shared>> -> memref<1000x128xf32, #tpu.memory_space<vmem_shared>>
    tpu.enqueue_indirect_dma source(%dma_start3A_40 : memref<1000x128xf32, #tpu.memory_space<vmem_shared>>) target(%dma_start3A_35 : memref<64x128xf32, #tpu.memory_space<vmem>>) offsets(%dma_start3A_37 : memref<64xi32, #tpu.memory_space<vmem>>) semaphore(%arg10 : memref<!tpu.dma_semaphore, #tpu.memory_space<semaphore_mem>>)
    %dma_start3A_41 = arith.constant 3 : i32
    %dma_start3A_42 = arith.constant 0 : i32
    %dma_start3A_43 = arith.constant 0 : i32
    %dma_start3A_44 = tpu.memref_slice %arg6[%dma_start3A_41, %dma_start3A_42, %dma_start3A_43] : memref<4x64x128xf32, #tpu.memory_space<vmem>> -> memref<1x64x128xf32, #tpu.memory_space<vmem>>
    %dma_start3A_45 = tpu.memref_squeeze %dma_start3A_44 : memref<1x64x128xf32, #tpu.memory_space<vmem>> -> memref<64x128xf32, #tpu.memory_space<vmem>>
    %dma_start3A_46 = arith.constant 192 : i32
    %dma_start3A_47 = tpu.memref_slice %arg5[%dma_start3A_46] : memref<512xi32, #tpu.memory_space<vmem>> -> memref<64xi32, #tpu.memory_space<vmem>>
    %dma_start3A_48 = arith.constant 0 : i32
    %dma_start3A_49 = arith.constant 0 : i32
    %dma_start3A_50 = tpu.memref_slice %arg7[%dma_start3A_48, %dma_start3A_49] : memref<1000x128xf32, #tpu.memory_space<vmem_shared>> -> memref<1000x128xf32, #tpu.memory_space<vmem_shared>>
    tpu.enqueue_indirect_dma source(%dma_start3A_50 : memref<1000x128xf32, #tpu.memory_space<vmem_shared>>) target(%dma_start3A_45 : memref<64x128xf32, #tpu.memory_space<vmem>>) offsets(%dma_start3A_47 : memref<64xi32, #tpu.memory_space<vmem>>) semaphore(%arg10 : memref<!tpu.dma_semaphore, #tpu.memory_space<semaphore_mem>>)
    %dma_wait3A_51 = arith.constant 0 : i32
    %dma_wait3A_52 = arith.constant 0 : i32
    %dma_wait3A_53 = arith.constant 0 : i32
    %dma_wait3A_54 = tpu.memref_slice %arg6[%dma_wait3A_51, %dma_wait3A_52, %dma_wait3A_53] : memref<4x64x128xf32, #tpu.memory_space<vmem>> -> memref<1x64x128xf32, #tpu.memory_space<vmem>>
    %dma_wait3A_55 = tpu.memref_squeeze %dma_wait3A_54 : memref<1x64x128xf32, #tpu.memory_space<vmem>> -> memref<64x128xf32, #tpu.memory_space<vmem>>
    %dma_wait3A_56 = arith.constant 0 : i32
    %dma_wait3A_57 = tpu.memref_slice %arg5[%dma_wait3A_56] : memref<512xi32, #tpu.memory_space<vmem>> -> memref<64xi32, #tpu.memory_space<vmem>>
    %dma_wait3A_58 = arith.constant 0 : i32
    %dma_wait3A_59 = arith.constant 0 : i32
    %dma_wait3A_60 = tpu.memref_slice %arg7[%dma_wait3A_58, %dma_wait3A_59] : memref<1000x128xf32, #tpu.memory_space<vmem_shared>> -> memref<1000x128xf32, #tpu.memory_space<vmem_shared>>
    tpu.wait_indirect_dma semaphore(%arg10 : memref<!tpu.dma_semaphore, #tpu.memory_space<semaphore_mem>>) src(%dma_wait3A_60 : memref<1000x128xf32, #tpu.memory_space<vmem_shared>>) dst(%dma_wait3A_55 : memref<64x128xf32, #tpu.memory_space<vmem>>)
    %add3A_61 = arith.constant 0 : i32
    %add3A_62 = arith.addi %mul3A_2, %add3A_61 : i32
    %dma_start3A_63 = arith.constant 0 : i32
    %dma_start3A_64 = arith.constant 0 : i32
    %dma_start3A_65 = arith.constant 0 : i32
    %dma_start3A_66 = tpu.memref_slice %arg6[%dma_start3A_63, %dma_start3A_64, %dma_start3A_65] : memref<4x64x128xf32, #tpu.memory_space<vmem>> -> memref<1x64x128xf32, #tpu.memory_space<vmem>>
    %dma_start3A_67 = tpu.memref_squeeze %dma_start3A_66 : memref<1x64x128xf32, #tpu.memory_space<vmem>> -> memref<64x128xf32, #tpu.memory_space<vmem>>
    %dma_start3A_68 = arith.constant 0 : i32
    %dma_start3A_69 = tpu.memref_slice %arg4[%add3A_62, %dma_start3A_68] : memref<16384x128xf32, #tpu.memory_space<hbm>> -> memref<64x128xf32, #tpu.memory_space<hbm>>
    %dma_start3A_70 = arith.constant 0 : i32
    %dma_start3A_71 = tpu.memref_slice %arg4[%add3A_62, %dma_start3A_70] : memref<16384x128xf32, #tpu.memory_space<hbm>> -> memref<64x128xf32, #tpu.memory_space<hbm>>
    %dma_start3A_72 = arith.constant 0 : i32
    %dma_start3A_73 = arith.constant 0 : i32
    %dma_start3A_74 = tpu.memref_slice %arg6[%dma_start3A_63, %dma_start3A_72, %dma_start3A_73] : memref<4x64x128xf32, #tpu.memory_space<vmem>> -> memref<1x64x128xf32, #tpu.memory_space<vmem>>
    %dma_start3A_75 = tpu.memref_squeeze %dma_start3A_74 : memref<1x64x128xf32, #tpu.memory_space<vmem>> -> memref<64x128xf32, #tpu.memory_space<vmem>>
    tpu.enqueue_dma source(%dma_start3A_75 : memref<64x128xf32, #tpu.memory_space<vmem>>) target(%dma_start3A_71 : memref<64x128xf32, #tpu.memory_space<hbm>>) target_semaphore(%arg11 : memref<!tpu.dma_semaphore, #tpu.memory_space<semaphore_mem>>)
    %add3A_76 = arith.constant 0 : i32
    %add3A_77 = arith.addi %mul3A_2, %add3A_76 : i32
    %dma_wait3A_78 = arith.constant 0 : i32
    %dma_wait3A_79 = arith.constant 0 : i32
    %dma_wait3A_80 = arith.constant 0 : i32
    %dma_wait3A_81 = tpu.memref_slice %arg6[%dma_wait3A_78, %dma_wait3A_79, %dma_wait3A_80] : memref<4x64x128xf32, #tpu.memory_space<vmem>> -> memref<1x64x128xf32, #tpu.memory_space<vmem>>
    %dma_wait3A_82 = tpu.memref_squeeze %dma_wait3A_81 : memref<1x64x128xf32, #tpu.memory_space<vmem>> -> memref<64x128xf32, #tpu.memory_space<vmem>>
    %dma_wait3A_83 = arith.constant 0 : i32
    %dma_wait3A_84 = tpu.memref_slice %arg4[%add3A_77, %dma_wait3A_83] : memref<16384x128xf32, #tpu.memory_space<hbm>> -> memref<64x128xf32, #tpu.memory_space<hbm>>
    %dma_wait3A_85 = arith.constant 0 : i32
    %dma_wait3A_86 = tpu.memref_slice %arg4[%add3A_77, %dma_wait3A_85] : memref<16384x128xf32, #tpu.memory_space<hbm>> -> memref<64x128xf32, #tpu.memory_space<hbm>>
    %dma_wait3A_87 = arith.constant 0 : i32
    %dma_wait3A_88 = arith.constant 0 : i32
    %dma_wait3A_89 = tpu.memref_slice %arg6[%dma_wait3A_78, %dma_wait3A_87, %dma_wait3A_88] : memref<4x64x128xf32, #tpu.memory_space<vmem>> -> memref<1x64x128xf32, #tpu.memory_space<vmem>>
    %dma_wait3A_90 = tpu.memref_squeeze %dma_wait3A_89 : memref<1x64x128xf32, #tpu.memory_space<vmem>> -> memref<64x128xf32, #tpu.memory_space<vmem>>
    tpu.wait_dma2 semaphore(%arg11 : memref<!tpu.dma_semaphore, #tpu.memory_space<semaphore_mem>>) src(%dma_wait3A_90 : memref<64x128xf32, #tpu.memory_space<vmem>>) dst(%dma_wait3A_86 : memref<64x128xf32, #tpu.memory_space<hbm>>)
    %dma_start3A_91 = arith.constant 0 : i32
    %dma_start3A_92 = arith.constant 0 : i32
    %dma_start3A_93 = arith.constant 0 : i32
    %dma_start3A_94 = tpu.memref_slice %arg6[%dma_start3A_91, %dma_start3A_92, %dma_start3A_93] : memref<4x64x128xf32, #tpu.memory_space<vmem>> -> memref<1x64x128xf32, #tpu.memory_space<vmem>>
    %dma_start3A_95 = tpu.memref_squeeze %dma_start3A_94 : memref<1x64x128xf32, #tpu.memory_space<vmem>> -> memref<64x128xf32, #tpu.memory_space<vmem>>
    %dma_start3A_96 = arith.constant 256 : i32
    %dma_start3A_97 = tpu.memref_slice %arg5[%dma_start3A_96] : memref<512xi32, #tpu.memory_space<vmem>> -> memref<64xi32, #tpu.memory_space<vmem>>
    %dma_start3A_98 = arith.constant 0 : i32
    %dma_start3A_99 = arith.constant 0 : i32
    %dma_start3A_100 = tpu.memref_slice %arg7[%dma_start3A_98, %dma_start3A_99] : memref<1000x128xf32, #tpu.memory_space<vmem_shared>> -> memref<1000x128xf32, #tpu.memory_space<vmem_shared>>
    tpu.enqueue_indirect_dma source(%dma_start3A_100 : memref<1000x128xf32, #tpu.memory_space<vmem_shared>>) target(%dma_start3A_95 : memref<64x128xf32, #tpu.memory_space<vmem>>) offsets(%dma_start3A_97 : memref<64xi32, #tpu.memory_space<vmem>>) semaphore(%arg10 : memref<!tpu.dma_semaphore, #tpu.memory_space<semaphore_mem>>)
    %dma_wait3A_101 = arith.constant 1 : i32
    %dma_wait3A_102 = arith.constant 0 : i32
    %dma_wait3A_103 = arith.constant 0 : i32
    %dma_wait3A_104 = tpu.memref_slice %arg6[%dma_wait3A_101, %dma_wait3A_102, %dma_wait3A_103] : memref<4x64x128xf32, #tpu.memory_space<vmem>> -> memref<1x64x128xf32, #tpu.memory_space<vmem>>
    %dma_wait3A_105 = tpu.memref_squeeze %dma_wait3A_104 : memref<1x64x128xf32, #tpu.memory_space<vmem>> -> memref<64x128xf32, #tpu.memory_space<vmem>>
    %dma_wait3A_106 = arith.constant 64 : i32
    %dma_wait3A_107 = tpu.memref_slice %arg5[%dma_wait3A_106] : memref<512xi32, #tpu.memory_space<vmem>> -> memref<64xi32, #tpu.memory_space<vmem>>
    %dma_wait3A_108 = arith.constant 0 : i32
    %dma_wait3A_109 = arith.constant 0 : i32
    %dma_wait3A_110 = tpu.memref_slice %arg7[%dma_wait3A_108, %dma_wait3A_109] : memref<1000x128xf32, #tpu.memory_space<vmem_shared>> -> memref<1000x128xf32, #tpu.memory_space<vmem_shared>>
    tpu.wait_indirect_dma semaphore(%arg10 : memref<!tpu.dma_semaphore, #tpu.memory_space<semaphore_mem>>) src(%dma_wait3A_110 : memref<1000x128xf32, #tpu.memory_space<vmem_shared>>) dst(%dma_wait3A_105 : memref<64x128xf32, #tpu.memory_space<vmem>>)
    %add3A_111 = arith.constant 64 : i32
    %add3A_112 = arith.addi %mul3A_2, %add3A_111 : i32
    %dma_start3A_113 = arith.constant 1 : i32
    %dma_start3A_114 = arith.constant 0 : i32
    %dma_start3A_115 = arith.constant 0 : i32
    %dma_start3A_116 = tpu.memref_slice %arg6[%dma_start3A_113, %dma_start3A_114, %dma_start3A_115] : memref<4x64x128xf32, #tpu.memory_space<vmem>> -> memref<1x64x128xf32, #tpu.memory_space<vmem>>
    %dma_start3A_117 = tpu.memref_squeeze %dma_start3A_116 : memref<1x64x128xf32, #tpu.memory_space<vmem>> -> memref<64x128xf32, #tpu.memory_space<vmem>>
    %dma_start3A_118 = arith.constant 0 : i32
    %dma_start3A_119 = tpu.memref_slice %arg4[%add3A_112, %dma_start3A_118] : memref<16384x128xf32, #tpu.memory_space<hbm>> -> memref<64x128xf32, #tpu.memory_space<hbm>>
    %dma_start3A_120 = arith.constant 0 : i32
    %dma_start3A_121 = tpu.memref_slice %arg4[%add3A_112, %dma_start3A_120] : memref<16384x128xf32, #tpu.memory_space<hbm>> -> memref<64x128xf32, #tpu.memory_space<hbm>>
    %dma_start3A_122 = arith.constant 0 : i32
    %dma_start3A_123 = arith.constant 0 : i32
    %dma_start3A_124 = tpu.memref_slice %arg6[%dma_start3A_113, %dma_start3A_122, %dma_start3A_123] : memref<4x64x128xf32, #tpu.memory_space<vmem>> -> memref<1x64x128xf32, #tpu.memory_space<vmem>>
    %dma_start3A_125 = tpu.memref_squeeze %dma_start3A_124 : memref<1x64x128xf32, #tpu.memory_space<vmem>> -> memref<64x128xf32, #tpu.memory_space<vmem>>
    tpu.enqueue_dma source(%dma_start3A_125 : memref<64x128xf32, #tpu.memory_space<vmem>>) target(%dma_start3A_121 : memref<64x128xf32, #tpu.memory_space<hbm>>) target_semaphore(%arg11 : memref<!tpu.dma_semaphore, #tpu.memory_space<semaphore_mem>>)
    %add3A_126 = arith.constant 64 : i32
    %add3A_127 = arith.addi %mul3A_2, %add3A_126 : i32
    %dma_wait3A_128 = arith.constant 1 : i32
    %dma_wait3A_129 = arith.constant 0 : i32
    %dma_wait3A_130 = arith.constant 0 : i32
    %dma_wait3A_131 = tpu.memref_slice %arg6[%dma_wait3A_128, %dma_wait3A_129, %dma_wait3A_130] : memref<4x64x128xf32, #tpu.memory_space<vmem>> -> memref<1x64x128xf32, #tpu.memory_space<vmem>>
    %dma_wait3A_132 = tpu.memref_squeeze %dma_wait3A_131 : memref<1x64x128xf32, #tpu.memory_space<vmem>> -> memref<64x128xf32, #tpu.memory_space<vmem>>
    %dma_wait3A_133 = arith.constant 0 : i32
    %dma_wait3A_134 = tpu.memref_slice %arg4[%add3A_127, %dma_wait3A_133] : memref<16384x128xf32, #tpu.memory_space<hbm>> -> memref<64x128xf32, #tpu.memory_space<hbm>>
    %dma_wait3A_135 = arith.constant 0 : i32
    %dma_wait3A_136 = tpu.memref_slice %arg4[%add3A_127, %dma_wait3A_135] : memref<16384x128xf32, #tpu.memory_space<hbm>> -> memref<64x128xf32, #tpu.memory_space<hbm>>
    %dma_wait3A_137 = arith.constant 0 : i32
    %dma_wait3A_138 = arith.constant 0 : i32
    %dma_wait3A_139 = tpu.memref_slice %arg6[%dma_wait3A_128, %dma_wait3A_137, %dma_wait3A_138] : memref<4x64x128xf32, #tpu.memory_space<vmem>> -> memref<1x64x128xf32, #tpu.memory_space<vmem>>
    %dma_wait3A_140 = tpu.memref_squeeze %dma_wait3A_139 : memref<1x64x128xf32, #tpu.memory_space<vmem>> -> memref<64x128xf32, #tpu.memory_space<vmem>>
    tpu.wait_dma2 semaphore(%arg11 : memref<!tpu.dma_semaphore, #tpu.memory_space<semaphore_mem>>) src(%dma_wait3A_140 : memref<64x128xf32, #tpu.memory_space<vmem>>) dst(%dma_wait3A_136 : memref<64x128xf32, #tpu.memory_space<hbm>>)
    %dma_start3A_141 = arith.constant 1 : i32
    %dma_start3A_142 = arith.constant 0 : i32
    %dma_start3A_143 = arith.constant 0 : i32
    %dma_start3A_144 = tpu.memref_slice %arg6[%dma_start3A_141, %dma_start3A_142, %dma_start3A_143] : memref<4x64x128xf32, #tpu.memory_space<vmem>> -> memref<1x64x128xf32, #tpu.memory_space<vmem>>
    %dma_start3A_145 = tpu.memref_squeeze %dma_start3A_144 : memref<1x64x128xf32, #tpu.memory_space<vmem>> -> memref<64x128xf32, #tpu.memory_space<vmem>>
    %dma_start3A_146 = arith.constant 320 : i32
    %dma_start3A_147 = tpu.memref_slice %arg5[%dma_start3A_146] : memref<512xi32, #tpu.memory_space<vmem>> -> memref<64xi32, #tpu.memory_space<vmem>>
    %dma_start3A_148 = arith.constant 0 : i32
    %dma_start3A_149 = arith.constant 0 : i32
    %dma_start3A_150 = tpu.memref_slice %arg7[%dma_start3A_148, %dma_start3A_149] : memref<1000x128xf32, #tpu.memory_space<vmem_shared>> -> memref<1000x128xf32, #tpu.memory_space<vmem_shared>>
    tpu.enqueue_indirect_dma source(%dma_start3A_150 : memref<1000x128xf32, #tpu.memory_space<vmem_shared>>) target(%dma_start3A_145 : memref<64x128xf32, #tpu.memory_space<vmem>>) offsets(%dma_start3A_147 : memref<64xi32, #tpu.memory_space<vmem>>) semaphore(%arg10 : memref<!tpu.dma_semaphore, #tpu.memory_space<semaphore_mem>>)
    %dma_wait3A_151 = arith.constant 2 : i32
    %dma_wait3A_152 = arith.constant 0 : i32
    %dma_wait3A_153 = arith.constant 0 : i32
    %dma_wait3A_154 = tpu.memref_slice %arg6[%dma_wait3A_151, %dma_wait3A_152, %dma_wait3A_153] : memref<4x64x128xf32, #tpu.memory_space<vmem>> -> memref<1x64x128xf32, #tpu.memory_space<vmem>>
    %dma_wait3A_155 = tpu.memref_squeeze %dma_wait3A_154 : memref<1x64x128xf32, #tpu.memory_space<vmem>> -> memref<64x128xf32, #tpu.memory_space<vmem>>
    %dma_wait3A_156 = arith.constant 128 : i32
    %dma_wait3A_157 = tpu.memref_slice %arg5[%dma_wait3A_156] : memref<512xi32, #tpu.memory_space<vmem>> -> memref<64xi32, #tpu.memory_space<vmem>>
    %dma_wait3A_158 = arith.constant 0 : i32
    %dma_wait3A_159 = arith.constant 0 : i32
    %dma_wait3A_160 = tpu.memref_slice %arg7[%dma_wait3A_158, %dma_wait3A_159] : memref<1000x128xf32, #tpu.memory_space<vmem_shared>> -> memref<1000x128xf32, #tpu.memory_space<vmem_shared>>
    tpu.wait_indirect_dma semaphore(%arg10 : memref<!tpu.dma_semaphore, #tpu.memory_space<semaphore_mem>>) src(%dma_wait3A_160 : memref<1000x128xf32, #tpu.memory_space<vmem_shared>>) dst(%dma_wait3A_155 : memref<64x128xf32, #tpu.memory_space<vmem>>)
    %add3A_161 = arith.constant 128 : i32
    %add3A_162 = arith.addi %mul3A_2, %add3A_161 : i32
    %dma_start3A_163 = arith.constant 2 : i32
    %dma_start3A_164 = arith.constant 0 : i32
    %dma_start3A_165 = arith.constant 0 : i32
    %dma_start3A_166 = tpu.memref_slice %arg6[%dma_start3A_163, %dma_start3A_164, %dma_start3A_165] : memref<4x64x128xf32, #tpu.memory_space<vmem>> -> memref<1x64x128xf32, #tpu.memory_space<vmem>>
    %dma_start3A_167 = tpu.memref_squeeze %dma_start3A_166 : memref<1x64x128xf32, #tpu.memory_space<vmem>> -> memref<64x128xf32, #tpu.memory_space<vmem>>
    %dma_start3A_168 = arith.constant 0 : i32
    %dma_start3A_169 = tpu.memref_slice %arg4[%add3A_162, %dma_start3A_168] : memref<16384x128xf32, #tpu.memory_space<hbm>> -> memref<64x128xf32, #tpu.memory_space<hbm>>
    %dma_start3A_170 = arith.constant 0 : i32
    %dma_start3A_171 = tpu.memref_slice %arg4[%add3A_162, %dma_start3A_170] : memref<16384x128xf32, #tpu.memory_space<hbm>> -> memref<64x128xf32, #tpu.memory_space<hbm>>
    %dma_start3A_172 = arith.constant 0 : i32
    %dma_start3A_173 = arith.constant 0 : i32
    %dma_start3A_174 = tpu.memref_slice %arg6[%dma_start3A_163, %dma_start3A_172, %dma_start3A_173] : memref<4x64x128xf32, #tpu.memory_space<vmem>> -> memref<1x64x128xf32, #tpu.memory_space<vmem>>
    %dma_start3A_175 = tpu.memref_squeeze %dma_start3A_174 : memref<1x64x128xf32, #tpu.memory_space<vmem>> -> memref<64x128xf32, #tpu.memory_space<vmem>>
    tpu.enqueue_dma source(%dma_start3A_175 : memref<64x128xf32, #tpu.memory_space<vmem>>) target(%dma_start3A_171 : memref<64x128xf32, #tpu.memory_space<hbm>>) target_semaphore(%arg11 : memref<!tpu.dma_semaphore, #tpu.memory_space<semaphore_mem>>)
    %add3A_176 = arith.constant 128 : i32
    %add3A_177 = arith.addi %mul3A_2, %add3A_176 : i32
    %dma_wait3A_178 = arith.constant 2 : i32
    %dma_wait3A_179 = arith.constant 0 : i32
    %dma_wait3A_180 = arith.constant 0 : i32
    %dma_wait3A_181 = tpu.memref_slice %arg6[%dma_wait3A_178, %dma_wait3A_179, %dma_wait3A_180] : memref<4x64x128xf32, #tpu.memory_space<vmem>> -> memref<1x64x128xf32, #tpu.memory_space<vmem>>
    %dma_wait3A_182 = tpu.memref_squeeze %dma_wait3A_181 : memref<1x64x128xf32, #tpu.memory_space<vmem>> -> memref<64x128xf32, #tpu.memory_space<vmem>>
    %dma_wait3A_183 = arith.constant 0 : i32
    %dma_wait3A_184 = tpu.memref_slice %arg4[%add3A_177, %dma_wait3A_183] : memref<16384x128xf32, #tpu.memory_space<hbm>> -> memref<64x128xf32, #tpu.memory_space<hbm>>
    %dma_wait3A_185 = arith.constant 0 : i32
    %dma_wait3A_186 = tpu.memref_slice %arg4[%add3A_177, %dma_wait3A_185] : memref<16384x128xf32, #tpu.memory_space<hbm>> -> memref<64x128xf32, #tpu.memory_space<hbm>>
    %dma_wait3A_187 = arith.constant 0 : i32
    %dma_wait3A_188 = arith.constant 0 : i32
    %dma_wait3A_189 = tpu.memref_slice %arg6[%dma_wait3A_178, %dma_wait3A_187, %dma_wait3A_188] : memref<4x64x128xf32, #tpu.memory_space<vmem>> -> memref<1x64x128xf32, #tpu.memory_space<vmem>>
    %dma_wait3A_190 = tpu.memref_squeeze %dma_wait3A_189 : memref<1x64x128xf32, #tpu.memory_space<vmem>> -> memref<64x128xf32, #tpu.memory_space<vmem>>
    tpu.wait_dma2 semaphore(%arg11 : memref<!tpu.dma_semaphore, #tpu.memory_space<semaphore_mem>>) src(%dma_wait3A_190 : memref<64x128xf32, #tpu.memory_space<vmem>>) dst(%dma_wait3A_186 : memref<64x128xf32, #tpu.memory_space<hbm>>)
    %dma_start3A_191 = arith.constant 2 : i32
    %dma_start3A_192 = arith.constant 0 : i32
    %dma_start3A_193 = arith.constant 0 : i32
    %dma_start3A_194 = tpu.memref_slice %arg6[%dma_start3A_191, %dma_start3A_192, %dma_start3A_193] : memref<4x64x128xf32, #tpu.memory_space<vmem>> -> memref<1x64x128xf32, #tpu.memory_space<vmem>>
    %dma_start3A_195 = tpu.memref_squeeze %dma_start3A_194 : memref<1x64x128xf32, #tpu.memory_space<vmem>> -> memref<64x128xf32, #tpu.memory_space<vmem>>
    %dma_start3A_196 = arith.constant 384 : i32
    %dma_start3A_197 = tpu.memref_slice %arg5[%dma_start3A_196] : memref<512xi32, #tpu.memory_space<vmem>> -> memref<64xi32, #tpu.memory_space<vmem>>
    %dma_start3A_198 = arith.constant 0 : i32
    %dma_start3A_199 = arith.constant 0 : i32
    %dma_start3A_200 = tpu.memref_slice %arg7[%dma_start3A_198, %dma_start3A_199] : memref<1000x128xf32, #tpu.memory_space<vmem_shared>> -> memref<1000x128xf32, #tpu.memory_space<vmem_shared>>
    tpu.enqueue_indirect_dma source(%dma_start3A_200 : memref<1000x128xf32, #tpu.memory_space<vmem_shared>>) target(%dma_start3A_195 : memref<64x128xf32, #tpu.memory_space<vmem>>) offsets(%dma_start3A_197 : memref<64xi32, #tpu.memory_space<vmem>>) semaphore(%arg10 : memref<!tpu.dma_semaphore, #tpu.memory_space<semaphore_mem>>)
    %dma_wait3A_201 = arith.constant 3 : i32
    %dma_wait3A_202 = arith.constant 0 : i32
    %dma_wait3A_203 = arith.constant 0 : i32
    %dma_wait3A_204 = tpu.memref_slice %arg6[%dma_wait3A_201, %dma_wait3A_202, %dma_wait3A_203] : memref<4x64x128xf32, #tpu.memory_space<vmem>> -> memref<1x64x128xf32, #tpu.memory_space<vmem>>
    %dma_wait3A_205 = tpu.memref_squeeze %dma_wait3A_204 : memref<1x64x128xf32, #tpu.memory_space<vmem>> -> memref<64x128xf32, #tpu.memory_space<vmem>>
    %dma_wait3A_206 = arith.constant 192 : i32
    %dma_wait3A_207 = tpu.memref_slice %arg5[%dma_wait3A_206] : memref<512xi32, #tpu.memory_space<vmem>> -> memref<64xi32, #tpu.memory_space<vmem>>
    %dma_wait3A_208 = arith.constant 0 : i32
    %dma_wait3A_209 = arith.constant 0 : i32
    %dma_wait3A_210 = tpu.memref_slice %arg7[%dma_wait3A_208, %dma_wait3A_209] : memref<1000x128xf32, #tpu.memory_space<vmem_shared>> -> memref<1000x128xf32, #tpu.memory_space<vmem_shared>>
    tpu.wait_indirect_dma semaphore(%arg10 : memref<!tpu.dma_semaphore, #tpu.memory_space<semaphore_mem>>) src(%dma_wait3A_210 : memref<1000x128xf32, #tpu.memory_space<vmem_shared>>) dst(%dma_wait3A_205 : memref<64x128xf32, #tpu.memory_space<vmem>>)
    %add3A_211 = arith.constant 192 : i32
    %add3A_212 = arith.addi %mul3A_2, %add3A_211 : i32
    %dma_start3A_213 = arith.constant 3 : i32
    %dma_start3A_214 = arith.constant 0 : i32
    %dma_start3A_215 = arith.constant 0 : i32
    %dma_start3A_216 = tpu.memref_slice %arg6[%dma_start3A_213, %dma_start3A_214, %dma_start3A_215] : memref<4x64x128xf32, #tpu.memory_space<vmem>> -> memref<1x64x128xf32, #tpu.memory_space<vmem>>
    %dma_start3A_217 = tpu.memref_squeeze %dma_start3A_216 : memref<1x64x128xf32, #tpu.memory_space<vmem>> -> memref<64x128xf32, #tpu.memory_space<vmem>>
    %dma_start3A_218 = arith.constant 0 : i32
    %dma_start3A_219 = tpu.memref_slice %arg4[%add3A_212, %dma_start3A_218] : memref<16384x128xf32, #tpu.memory_space<hbm>> -> memref<64x128xf32, #tpu.memory_space<hbm>>
    %dma_start3A_220 = arith.constant 0 : i32
    %dma_start3A_221 = tpu.memref_slice %arg4[%add3A_212, %dma_start3A_220] : memref<16384x128xf32, #tpu.memory_space<hbm>> -> memref<64x128xf32, #tpu.memory_space<hbm>>
    %dma_start3A_222 = arith.constant 0 : i32
    %dma_start3A_223 = arith.constant 0 : i32
    %dma_start3A_224 = tpu.memref_slice %arg6[%dma_start3A_213, %dma_start3A_222, %dma_start3A_223] : memref<4x64x128xf32, #tpu.memory_space<vmem>> -> memref<1x64x128xf32, #tpu.memory_space<vmem>>
    %dma_start3A_225 = tpu.memref_squeeze %dma_start3A_224 : memref<1x64x128xf32, #tpu.memory_space<vmem>> -> memref<64x128xf32, #tpu.memory_space<vmem>>
    tpu.enqueue_dma source(%dma_start3A_225 : memref<64x128xf32, #tpu.memory_space<vmem>>) target(%dma_start3A_221 : memref<64x128xf32, #tpu.memory_space<hbm>>) target_semaphore(%arg11 : memref<!tpu.dma_semaphore, #tpu.memory_space<semaphore_mem>>)
    %add3A_226 = arith.constant 192 : i32
    %add3A_227 = arith.addi %mul3A_2, %add3A_226 : i32
    %dma_wait3A_228 = arith.constant 3 : i32
    %dma_wait3A_229 = arith.constant 0 : i32
    %dma_wait3A_230 = arith.constant 0 : i32
    %dma_wait3A_231 = tpu.memref_slice %arg6[%dma_wait3A_228, %dma_wait3A_229, %dma_wait3A_230] : memref<4x64x128xf32, #tpu.memory_space<vmem>> -> memref<1x64x128xf32, #tpu.memory_space<vmem>>
    %dma_wait3A_232 = tpu.memref_squeeze %dma_wait3A_231 : memref<1x64x128xf32, #tpu.memory_space<vmem>> -> memref<64x128xf32, #tpu.memory_space<vmem>>
    %dma_wait3A_233 = arith.constant 0 : i32
    %dma_wait3A_234 = tpu.memref_slice %arg4[%add3A_227, %dma_wait3A_233] : memref<16384x128xf32, #tpu.memory_space<hbm>> -> memref<64x128xf32, #tpu.memory_space<hbm>>
    %dma_wait3A_235 = arith.constant 0 : i32
    %dma_wait3A_236 = tpu.memref_slice %arg4[%add3A_227, %dma_wait3A_235] : memref<16384x128xf32, #tpu.memory_space<hbm>> -> memref<64x128xf32, #tpu.memory_space<hbm>>
    %dma_wait3A_237 = arith.constant 0 : i32
    %dma_wait3A_238 = arith.constant 0 : i32
    %dma_wait3A_239 = tpu.memref_slice %arg6[%dma_wait3A_228, %dma_wait3A_237, %dma_wait3A_238] : memref<4x64x128xf32, #tpu.memory_space<vmem>> -> memref<1x64x128xf32, #tpu.memory_space<vmem>>
    %dma_wait3A_240 = tpu.memref_squeeze %dma_wait3A_239 : memref<1x64x128xf32, #tpu.memory_space<vmem>> -> memref<64x128xf32, #tpu.memory_space<vmem>>
    tpu.wait_dma2 semaphore(%arg11 : memref<!tpu.dma_semaphore, #tpu.memory_space<semaphore_mem>>) src(%dma_wait3A_240 : memref<64x128xf32, #tpu.memory_space<vmem>>) dst(%dma_wait3A_236 : memref<64x128xf32, #tpu.memory_space<hbm>>)
    %dma_start3A_241 = arith.constant 3 : i32
    %dma_start3A_242 = arith.constant 0 : i32
    %dma_start3A_243 = arith.constant 0 : i32
    %dma_start3A_244 = tpu.memref_slice %arg6[%dma_start3A_241, %dma_start3A_242, %dma_start3A_243] : memref<4x64x128xf32, #tpu.memory_space<vmem>> -> memref<1x64x128xf32, #tpu.memory_space<vmem>>
    %dma_start3A_245 = tpu.memref_squeeze %dma_start3A_244 : memref<1x64x128xf32, #tpu.memory_space<vmem>> -> memref<64x128xf32, #tpu.memory_space<vmem>>
    %dma_start3A_246 = arith.constant 448 : i32
    %dma_start3A_247 = tpu.memref_slice %arg5[%dma_start3A_246] : memref<512xi32, #tpu.memory_space<vmem>> -> memref<64xi32, #tpu.memory_space<vmem>>
    %dma_start3A_248 = arith.constant 0 : i32
    %dma_start3A_249 = arith.constant 0 : i32
    %dma_start3A_250 = tpu.memref_slice %arg7[%dma_start3A_248, %dma_start3A_249] : memref<1000x128xf32, #tpu.memory_space<vmem_shared>> -> memref<1000x128xf32, #tpu.memory_space<vmem_shared>>
    tpu.enqueue_indirect_dma source(%dma_start3A_250 : memref<1000x128xf32, #tpu.memory_space<vmem_shared>>) target(%dma_start3A_245 : memref<64x128xf32, #tpu.memory_space<vmem>>) offsets(%dma_start3A_247 : memref<64xi32, #tpu.memory_space<vmem>>) semaphore(%arg10 : memref<!tpu.dma_semaphore, #tpu.memory_space<semaphore_mem>>)
    %dma_wait3A_251 = arith.constant 0 : i32
    %dma_wait3A_252 = arith.constant 0 : i32
    %dma_wait3A_253 = arith.constant 0 : i32
    %dma_wait3A_254 = tpu.memref_slice %arg6[%dma_wait3A_251, %dma_wait3A_252, %dma_wait3A_253] : memref<4x64x128xf32, #tpu.memory_space<vmem>> -> memref<1x64x128xf32, #tpu.memory_space<vmem>>
    %dma_wait3A_255 = tpu.memref_squeeze %dma_wait3A_254 : memref<1x64x128xf32, #tpu.memory_space<vmem>> -> memref<64x128xf32, #tpu.memory_space<vmem>>
    %dma_wait3A_256 = arith.constant 256 : i32
    %dma_wait3A_257 = tpu.memref_slice %arg5[%dma_wait3A_256] : memref<512xi32, #tpu.memory_space<vmem>> -> memref<64xi32, #tpu.memory_space<vmem>>
    %dma_wait3A_258 = arith.constant 0 : i32
    %dma_wait3A_259 = arith.constant 0 : i32
    %dma_wait3A_260 = tpu.memref_slice %arg7[%dma_wait3A_258, %dma_wait3A_259] : memref<1000x128xf32, #tpu.memory_space<vmem_shared>> -> memref<1000x128xf32, #tpu.memory_space<vmem_shared>>
    tpu.wait_indirect_dma semaphore(%arg10 : memref<!tpu.dma_semaphore, #tpu.memory_space<semaphore_mem>>) src(%dma_wait3A_260 : memref<1000x128xf32, #tpu.memory_space<vmem_shared>>) dst(%dma_wait3A_255 : memref<64x128xf32, #tpu.memory_space<vmem>>)
    %add3A_261 = arith.constant 256 : i32
    %add3A_262 = arith.addi %mul3A_2, %add3A_261 : i32
    %dma_start3A_263 = arith.constant 0 : i32
    %dma_start3A_264 = arith.constant 0 : i32
    %dma_start3A_265 = arith.constant 0 : i32
    %dma_start3A_266 = tpu.memref_slice %arg6[%dma_start3A_263, %dma_start3A_264, %dma_start3A_265] : memref<4x64x128xf32, #tpu.memory_space<vmem>> -> memref<1x64x128xf32, #tpu.memory_space<vmem>>
    %dma_start3A_267 = tpu.memref_squeeze %dma_start3A_266 : memref<1x64x128xf32, #tpu.memory_space<vmem>> -> memref<64x128xf32, #tpu.memory_space<vmem>>
    %dma_start3A_268 = arith.constant 0 : i32
    %dma_start3A_269 = tpu.memref_slice %arg4[%add3A_262, %dma_start3A_268] : memref<16384x128xf32, #tpu.memory_space<hbm>> -> memref<64x128xf32, #tpu.memory_space<hbm>>
    %dma_start3A_270 = arith.constant 0 : i32
    %dma_start3A_271 = tpu.memref_slice %arg4[%add3A_262, %dma_start3A_270] : memref<16384x128xf32, #tpu.memory_space<hbm>> -> memref<64x128xf32, #tpu.memory_space<hbm>>
    %dma_start3A_272 = arith.constant 0 : i32
    %dma_start3A_273 = arith.constant 0 : i32
    %dma_start3A_274 = tpu.memref_slice %arg6[%dma_start3A_263, %dma_start3A_272, %dma_start3A_273] : memref<4x64x128xf32, #tpu.memory_space<vmem>> -> memref<1x64x128xf32, #tpu.memory_space<vmem>>
    %dma_start3A_275 = tpu.memref_squeeze %dma_start3A_274 : memref<1x64x128xf32, #tpu.memory_space<vmem>> -> memref<64x128xf32, #tpu.memory_space<vmem>>
    tpu.enqueue_dma source(%dma_start3A_275 : memref<64x128xf32, #tpu.memory_space<vmem>>) target(%dma_start3A_271 : memref<64x128xf32, #tpu.memory_space<hbm>>) target_semaphore(%arg11 : memref<!tpu.dma_semaphore, #tpu.memory_space<semaphore_mem>>)
    %dma_wait3A_276 = arith.constant 1 : i32
    %dma_wait3A_277 = arith.constant 0 : i32
    %dma_wait3A_278 = arith.constant 0 : i32
    %dma_wait3A_279 = tpu.memref_slice %arg6[%dma_wait3A_276, %dma_wait3A_277, %dma_wait3A_278] : memref<4x64x128xf32, #tpu.memory_space<vmem>> -> memref<1x64x128xf32, #tpu.memory_space<vmem>>
    %dma_wait3A_280 = tpu.memref_squeeze %dma_wait3A_279 : memref<1x64x128xf32, #tpu.memory_space<vmem>> -> memref<64x128xf32, #tpu.memory_space<vmem>>
    %dma_wait3A_281 = arith.constant 320 : i32
    %dma_wait3A_282 = tpu.memref_slice %arg5[%dma_wait3A_281] : memref<512xi32, #tpu.memory_space<vmem>> -> memref<64xi32, #tpu.memory_space<vmem>>
    %dma_wait3A_283 = arith.constant 0 : i32
    %dma_wait3A_284 = arith.constant 0 : i32
    %dma_wait3A_285 = tpu.memref_slice %arg7[%dma_wait3A_283, %dma_wait3A_284] : memref<1000x128xf32, #tpu.memory_space<vmem_shared>> -> memref<1000x128xf32, #tpu.memory_space<vmem_shared>>
    tpu.wait_indirect_dma semaphore(%arg10 : memref<!tpu.dma_semaphore, #tpu.memory_space<semaphore_mem>>) src(%dma_wait3A_285 : memref<1000x128xf32, #tpu.memory_space<vmem_shared>>) dst(%dma_wait3A_280 : memref<64x128xf32, #tpu.memory_space<vmem>>)
    %add3A_286 = arith.constant 320 : i32
    %add3A_287 = arith.addi %mul3A_2, %add3A_286 : i32
    %dma_start3A_288 = arith.constant 1 : i32
    %dma_start3A_289 = arith.constant 0 : i32
    %dma_start3A_290 = arith.constant 0 : i32
    %dma_start3A_291 = tpu.memref_slice %arg6[%dma_start3A_288, %dma_start3A_289, %dma_start3A_290] : memref<4x64x128xf32, #tpu.memory_space<vmem>> -> memref<1x64x128xf32, #tpu.memory_space<vmem>>
    %dma_start3A_292 = tpu.memref_squeeze %dma_start3A_291 : memref<1x64x128xf32, #tpu.memory_space<vmem>> -> memref<64x128xf32, #tpu.memory_space<vmem>>
    %dma_start3A_293 = arith.constant 0 : i32
    %dma_start3A_294 = tpu.memref_slice %arg4[%add3A_287, %dma_start3A_293] : memref<16384x128xf32, #tpu.memory_space<hbm>> -> memref<64x128xf32, #tpu.memory_space<hbm>>
    %dma_start3A_295 = arith.constant 0 : i32
    %dma_start3A_296 = tpu.memref_slice %arg4[%add3A_287, %dma_start3A_295] : memref<16384x128xf32, #tpu.memory_space<hbm>> -> memref<64x128xf32, #tpu.memory_space<hbm>>
    %dma_start3A_297 = arith.constant 0 : i32
    %dma_start3A_298 = arith.constant 0 : i32
    %dma_start3A_299 = tpu.memref_slice %arg6[%dma_start3A_288, %dma_start3A_297, %dma_start3A_298] : memref<4x64x128xf32, #tpu.memory_space<vmem>> -> memref<1x64x128xf32, #tpu.memory_space<vmem>>
    %dma_start3A_300 = tpu.memref_squeeze %dma_start3A_299 : memref<1x64x128xf32, #tpu.memory_space<vmem>> -> memref<64x128xf32, #tpu.memory_space<vmem>>
    tpu.enqueue_dma source(%dma_start3A_300 : memref<64x128xf32, #tpu.memory_space<vmem>>) target(%dma_start3A_296 : memref<64x128xf32, #tpu.memory_space<hbm>>) target_semaphore(%arg11 : memref<!tpu.dma_semaphore, #tpu.memory_space<semaphore_mem>>)
    %dma_wait3A_301 = arith.constant 2 : i32
    %dma_wait3A_302 = arith.constant 0 : i32
    %dma_wait3A_303 = arith.constant 0 : i32
    %dma_wait3A_304 = tpu.memref_slice %arg6[%dma_wait3A_301, %dma_wait3A_302, %dma_wait3A_303] : memref<4x64x128xf32, #tpu.memory_space<vmem>> -> memref<1x64x128xf32, #tpu.memory_space<vmem>>
    %dma_wait3A_305 = tpu.memref_squeeze %dma_wait3A_304 : memref<1x64x128xf32, #tpu.memory_space<vmem>> -> memref<64x128xf32, #tpu.memory_space<vmem>>
    %dma_wait3A_306 = arith.constant 384 : i32
    %dma_wait3A_307 = tpu.memref_slice %arg5[%dma_wait3A_306] : memref<512xi32, #tpu.memory_space<vmem>> -> memref<64xi32, #tpu.memory_space<vmem>>
    %dma_wait3A_308 = arith.constant 0 : i32
    %dma_wait3A_309 = arith.constant 0 : i32
    %dma_wait3A_310 = tpu.memref_slice %arg7[%dma_wait3A_308, %dma_wait3A_309] : memref<1000x128xf32, #tpu.memory_space<vmem_shared>> -> memref<1000x128xf32, #tpu.memory_space<vmem_shared>>
    tpu.wait_indirect_dma semaphore(%arg10 : memref<!tpu.dma_semaphore, #tpu.memory_space<semaphore_mem>>) src(%dma_wait3A_310 : memref<1000x128xf32, #tpu.memory_space<vmem_shared>>) dst(%dma_wait3A_305 : memref<64x128xf32, #tpu.memory_space<vmem>>)
    %add3A_311 = arith.constant 384 : i32
    %add3A_312 = arith.addi %mul3A_2, %add3A_311 : i32
    %dma_start3A_313 = arith.constant 2 : i32
    %dma_start3A_314 = arith.constant 0 : i32
    %dma_start3A_315 = arith.constant 0 : i32
    %dma_start3A_316 = tpu.memref_slice %arg6[%dma_start3A_313, %dma_start3A_314, %dma_start3A_315] : memref<4x64x128xf32, #tpu.memory_space<vmem>> -> memref<1x64x128xf32, #tpu.memory_space<vmem>>
    %dma_start3A_317 = tpu.memref_squeeze %dma_start3A_316 : memref<1x64x128xf32, #tpu.memory_space<vmem>> -> memref<64x128xf32, #tpu.memory_space<vmem>>
    %dma_start3A_318 = arith.constant 0 : i32
    %dma_start3A_319 = tpu.memref_slice %arg4[%add3A_312, %dma_start3A_318] : memref<16384x128xf32, #tpu.memory_space<hbm>> -> memref<64x128xf32, #tpu.memory_space<hbm>>
    %dma_start3A_320 = arith.constant 0 : i32
    %dma_start3A_321 = tpu.memref_slice %arg4[%add3A_312, %dma_start3A_320] : memref<16384x128xf32, #tpu.memory_space<hbm>> -> memref<64x128xf32, #tpu.memory_space<hbm>>
    %dma_start3A_322 = arith.constant 0 : i32
    %dma_start3A_323 = arith.constant 0 : i32
    %dma_start3A_324 = tpu.memref_slice %arg6[%dma_start3A_313, %dma_start3A_322, %dma_start3A_323] : memref<4x64x128xf32, #tpu.memory_space<vmem>> -> memref<1x64x128xf32, #tpu.memory_space<vmem>>
    %dma_start3A_325 = tpu.memref_squeeze %dma_start3A_324 : memref<1x64x128xf32, #tpu.memory_space<vmem>> -> memref<64x128xf32, #tpu.memory_space<vmem>>
    tpu.enqueue_dma source(%dma_start3A_325 : memref<64x128xf32, #tpu.memory_space<vmem>>) target(%dma_start3A_321 : memref<64x128xf32, #tpu.memory_space<hbm>>) target_semaphore(%arg11 : memref<!tpu.dma_semaphore, #tpu.memory_space<semaphore_mem>>)
    %dma_wait3A_326 = arith.constant 3 : i32
    %dma_wait3A_327 = arith.constant 0 : i32
    %dma_wait3A_328 = arith.constant 0 : i32
    %dma_wait3A_329 = tpu.memref_slice %arg6[%dma_wait3A_326, %dma_wait3A_327, %dma_wait3A_328] : memref<4x64x128xf32, #tpu.memory_space<vmem>> -> memref<1x64x128xf32, #tpu.memory_space<vmem>>
    %dma_wait3A_330 = tpu.memref_squeeze %dma_wait3A_329 : memref<1x64x128xf32, #tpu.memory_space<vmem>> -> memref<64x128xf32, #tpu.memory_space<vmem>>
    %dma_wait3A_331 = arith.constant 448 : i32
    %dma_wait3A_332 = tpu.memref_slice %arg5[%dma_wait3A_331] : memref<512xi32, #tpu.memory_space<vmem>> -> memref<64xi32, #tpu.memory_space<vmem>>
    %dma_wait3A_333 = arith.constant 0 : i32
    %dma_wait3A_334 = arith.constant 0 : i32
    %dma_wait3A_335 = tpu.memref_slice %arg7[%dma_wait3A_333, %dma_wait3A_334] : memref<1000x128xf32, #tpu.memory_space<vmem_shared>> -> memref<1000x128xf32, #tpu.memory_space<vmem_shared>>
    tpu.wait_indirect_dma semaphore(%arg10 : memref<!tpu.dma_semaphore, #tpu.memory_space<semaphore_mem>>) src(%dma_wait3A_335 : memref<1000x128xf32, #tpu.memory_space<vmem_shared>>) dst(%dma_wait3A_330 : memref<64x128xf32, #tpu.memory_space<vmem>>)
    %add3A_336 = arith.constant 448 : i32
    %add3A_337 = arith.addi %mul3A_2, %add3A_336 : i32
    %dma_start3A_338 = arith.constant 3 : i32
    %dma_start3A_339 = arith.constant 0 : i32
    %dma_start3A_340 = arith.constant 0 : i32
    %dma_start3A_341 = tpu.memref_slice %arg6[%dma_start3A_338, %dma_start3A_339, %dma_start3A_340] : memref<4x64x128xf32, #tpu.memory_space<vmem>> -> memref<1x64x128xf32, #tpu.memory_space<vmem>>
    %dma_start3A_342 = tpu.memref_squeeze %dma_start3A_341 : memref<1x64x128xf32, #tpu.memory_space<vmem>> -> memref<64x128xf32, #tpu.memory_space<vmem>>
    %dma_start3A_343 = arith.constant 0 : i32
    %dma_start3A_344 = tpu.memref_slice %arg4[%add3A_337, %dma_start3A_343] : memref<16384x128xf32, #tpu.memory_space<hbm>> -> memref<64x128xf32, #tpu.memory_space<hbm>>
    %dma_start3A_345 = arith.constant 0 : i32
    %dma_start3A_346 = tpu.memref_slice %arg4[%add3A_337, %dma_start3A_345] : memref<16384x128xf32, #tpu.memory_space<hbm>> -> memref<64x128xf32, #tpu.memory_space<hbm>>
    %dma_start3A_347 = arith.constant 0 : i32
    %dma_start3A_348 = arith.constant 0 : i32
    %dma_start3A_349 = tpu.memref_slice %arg6[%dma_start3A_338, %dma_start3A_347, %dma_start3A_348] : memref<4x64x128xf32, #tpu.memory_space<vmem>> -> memref<1x64x128xf32, #tpu.memory_space<vmem>>
    %dma_start3A_350 = tpu.memref_squeeze %dma_start3A_349 : memref<1x64x128xf32, #tpu.memory_space<vmem>> -> memref<64x128xf32, #tpu.memory_space<vmem>>
    tpu.enqueue_dma source(%dma_start3A_350 : memref<64x128xf32, #tpu.memory_space<vmem>>) target(%dma_start3A_346 : memref<64x128xf32, #tpu.memory_space<hbm>>) target_semaphore(%arg11 : memref<!tpu.dma_semaphore, #tpu.memory_space<semaphore_mem>>)
    %add3A_351 = arith.constant 256 : i32
    %add3A_352 = arith.addi %mul3A_2, %add3A_351 : i32
    %dma_wait3A_353 = arith.constant 0 : i32
    %dma_wait3A_354 = arith.constant 0 : i32
    %dma_wait3A_355 = arith.constant 0 : i32
    %dma_wait3A_356 = tpu.memref_slice %arg6[%dma_wait3A_353, %dma_wait3A_354, %dma_wait3A_355] : memref<4x64x128xf32, #tpu.memory_space<vmem>> -> memref<1x64x128xf32, #tpu.memory_space<vmem>>
    %dma_wait3A_357 = tpu.memref_squeeze %dma_wait3A_356 : memref<1x64x128xf32, #tpu.memory_space<vmem>> -> memref<64x128xf32, #tpu.memory_space<vmem>>
    %dma_wait3A_358 = arith.constant 0 : i32
    %dma_wait3A_359 = tpu.memref_slice %arg4[%add3A_352, %dma_wait3A_358] : memref<16384x128xf32, #tpu.memory_space<hbm>> -> memref<64x128xf32, #tpu.memory_space<hbm>>
    %dma_wait3A_360 = arith.constant 0 : i32
    %dma_wait3A_361 = tpu.memref_slice %arg4[%add3A_352, %dma_wait3A_360] : memref<16384x128xf32, #tpu.memory_space<hbm>> -> memref<64x128xf32, #tpu.memory_space<hbm>>
    %dma_wait3A_362 = arith.constant 0 : i32
    %dma_wait3A_363 = arith.constant 0 : i32
    %dma_wait3A_364 = tpu.memref_slice %arg6[%dma_wait3A_353, %dma_wait3A_362, %dma_wait3A_363] : memref<4x64x128xf32, #tpu.memory_space<vmem>> -> memref<1x64x128xf32, #tpu.memory_space<vmem>>
    %dma_wait3A_365 = tpu.memref_squeeze %dma_wait3A_364 : memref<1x64x128xf32, #tpu.memory_space<vmem>> -> memref<64x128xf32, #tpu.memory_space<vmem>>
    tpu.wait_dma2 semaphore(%arg11 : memref<!tpu.dma_semaphore, #tpu.memory_space<semaphore_mem>>) src(%dma_wait3A_365 : memref<64x128xf32, #tpu.memory_space<vmem>>) dst(%dma_wait3A_361 : memref<64x128xf32, #tpu.memory_space<hbm>>)
    %add3A_366 = arith.constant 320 : i32
    %add3A_367 = arith.addi %mul3A_2, %add3A_366 : i32
    %dma_wait3A_368 = arith.constant 1 : i32
    %dma_wait3A_369 = arith.constant 0 : i32
    %dma_wait3A_370 = arith.constant 0 : i32
    %dma_wait3A_371 = tpu.memref_slice %arg6[%dma_wait3A_368, %dma_wait3A_369, %dma_wait3A_370] : memref<4x64x128xf32, #tpu.memory_space<vmem>> -> memref<1x64x128xf32, #tpu.memory_space<vmem>>
    %dma_wait3A_372 = tpu.memref_squeeze %dma_wait3A_371 : memref<1x64x128xf32, #tpu.memory_space<vmem>> -> memref<64x128xf32, #tpu.memory_space<vmem>>
    %dma_wait3A_373 = arith.constant 0 : i32
    %dma_wait3A_374 = tpu.memref_slice %arg4[%add3A_367, %dma_wait3A_373] : memref<16384x128xf32, #tpu.memory_space<hbm>> -> memref<64x128xf32, #tpu.memory_space<hbm>>
    %dma_wait3A_375 = arith.constant 0 : i32
    %dma_wait3A_376 = tpu.memref_slice %arg4[%add3A_367, %dma_wait3A_375] : memref<16384x128xf32, #tpu.memory_space<hbm>> -> memref<64x128xf32, #tpu.memory_space<hbm>>
    %dma_wait3A_377 = arith.constant 0 : i32
    %dma_wait3A_378 = arith.constant 0 : i32
    %dma_wait3A_379 = tpu.memref_slice %arg6[%dma_wait3A_368, %dma_wait3A_377, %dma_wait3A_378] : memref<4x64x128xf32, #tpu.memory_space<vmem>> -> memref<1x64x128xf32, #tpu.memory_space<vmem>>
    %dma_wait3A_380 = tpu.memref_squeeze %dma_wait3A_379 : memref<1x64x128xf32, #tpu.memory_space<vmem>> -> memref<64x128xf32, #tpu.memory_space<vmem>>
    tpu.wait_dma2 semaphore(%arg11 : memref<!tpu.dma_semaphore, #tpu.memory_space<semaphore_mem>>) src(%dma_wait3A_380 : memref<64x128xf32, #tpu.memory_space<vmem>>) dst(%dma_wait3A_376 : memref<64x128xf32, #tpu.memory_space<hbm>>)
    %add3A_381 = arith.constant 384 : i32
    %add3A_382 = arith.addi %mul3A_2, %add3A_381 : i32
    %dma_wait3A_383 = arith.constant 2 : i32
    %dma_wait3A_384 = arith.constant 0 : i32
    %dma_wait3A_385 = arith.constant 0 : i32
    %dma_wait3A_386 = tpu.memref_slice %arg6[%dma_wait3A_383, %dma_wait3A_384, %dma_wait3A_385] : memref<4x64x128xf32, #tpu.memory_space<vmem>> -> memref<1x64x128xf32, #tpu.memory_space<vmem>>
    %dma_wait3A_387 = tpu.memref_squeeze %dma_wait3A_386 : memref<1x64x128xf32, #tpu.memory_space<vmem>> -> memref<64x128xf32, #tpu.memory_space<vmem>>
    %dma_wait3A_388 = arith.constant 0 : i32
    %dma_wait3A_389 = tpu.memref_slice %arg4[%add3A_382, %dma_wait3A_388] : memref<16384x128xf32, #tpu.memory_space<hbm>> -> memref<64x128xf32, #tpu.memory_space<hbm>>
    %dma_wait3A_390 = arith.constant 0 : i32
    %dma_wait3A_391 = tpu.memref_slice %arg4[%add3A_382, %dma_wait3A_390] : memref<16384x128xf32, #tpu.memory_space<hbm>> -> memref<64x128xf32, #tpu.memory_space<hbm>>
    %dma_wait3A_392 = arith.constant 0 : i32
    %dma_wait3A_393 = arith.constant 0 : i32
    %dma_wait3A_394 = tpu.memref_slice %arg6[%dma_wait3A_383, %dma_wait3A_392, %dma_wait3A_393] : memref<4x64x128xf32, #tpu.memory_space<vmem>> -> memref<1x64x128xf32, #tpu.memory_space<vmem>>
    %dma_wait3A_395 = tpu.memref_squeeze %dma_wait3A_394 : memref<1x64x128xf32, #tpu.memory_space<vmem>> -> memref<64x128xf32, #tpu.memory_space<vmem>>
    tpu.wait_dma2 semaphore(%arg11 : memref<!tpu.dma_semaphore, #tpu.memory_space<semaphore_mem>>) src(%dma_wait3A_395 : memref<64x128xf32, #tpu.memory_space<vmem>>) dst(%dma_wait3A_391 : memref<64x128xf32, #tpu.memory_space<hbm>>)
    %add3A_396 = arith.constant 448 : i32
    %add3A_397 = arith.addi %mul3A_2, %add3A_396 : i32
    %dma_wait3A_398 = arith.constant 3 : i32
    %dma_wait3A_399 = arith.constant 0 : i32
    %dma_wait3A_400 = arith.constant 0 : i32
    %dma_wait3A_401 = tpu.memref_slice %arg6[%dma_wait3A_398, %dma_wait3A_399, %dma_wait3A_400] : memref<4x64x128xf32, #tpu.memory_space<vmem>> -> memref<1x64x128xf32, #tpu.memory_space<vmem>>
    %dma_wait3A_402 = tpu.memref_squeeze %dma_wait3A_401 : memref<1x64x128xf32, #tpu.memory_space<vmem>> -> memref<64x128xf32, #tpu.memory_space<vmem>>
    %dma_wait3A_403 = arith.constant 0 : i32
    %dma_wait3A_404 = tpu.memref_slice %arg4[%add3A_397, %dma_wait3A_403] : memref<16384x128xf32, #tpu.memory_space<hbm>> -> memref<64x128xf32, #tpu.memory_space<hbm>>
    %dma_wait3A_405 = arith.constant 0 : i32
    %dma_wait3A_406 = tpu.memref_slice %arg4[%add3A_397, %dma_wait3A_405] : memref<16384x128xf32, #tpu.memory_space<hbm>> -> memref<64x128xf32, #tpu.memory_space<hbm>>
    %dma_wait3A_407 = arith.constant 0 : i32
    %dma_wait3A_408 = arith.constant 0 : i32
    %dma_wait3A_409 = tpu.memref_slice %arg6[%dma_wait3A_398, %dma_wait3A_407, %dma_wait3A_408] : memref<4x64x128xf32, #tpu.memory_space<vmem>> -> memref<1x64x128xf32, #tpu.memory_space<vmem>>
    %dma_wait3A_410 = tpu.memref_squeeze %dma_wait3A_409 : memref<1x64x128xf32, #tpu.memory_space<vmem>> -> memref<64x128xf32, #tpu.memory_space<vmem>>
    tpu.wait_dma2 semaphore(%arg11 : memref<!tpu.dma_semaphore, #tpu.memory_space<semaphore_mem>>) src(%dma_wait3A_410 : memref<64x128xf32, #tpu.memory_space<vmem>>) dst(%dma_wait3A_406 : memref<64x128xf32, #tpu.memory_space<hbm>>)
    return
  }
}

</mosaic_0001>

<sc_bundles>
// kernel: kernel.3.cloned.1.call-start
scs
__scs_entry_jumppad:
0x0: {  	(pc) =	sbr.rel $0x88, $3  }
0x1: {  	(tag) =	ssettag $0x0;
	lr =	simm.s32 $0x1  }
0x2: {  	[smem:$0x3F9F] =	sst lr;
	_ =	strace $0xD0000000  }
0x3: {  	_ = 	snop  }
0x4: {  	_ = 	snop  }
0x5: {  	_ = 	snop  }
0x6: {  	_ = 	snop  }
0x7: {  	_ = 	snop  }
__scs_overlays_trampoline_lowered:
0x8: {  	[smem:$0x3FAE] =	sst s0  }
0x9: {  	[smem:$0x3FAF] =	sst s1  }
0xa: {  	[smem:$0x3FB0] =	sst s2  }
0xb: {  	[smem:$0x3FB1] =	sst s3  }
0xc: {  	[smem:$0x3FB2] =	sst s4  }
0xd: {  	[smem:$0x3FB3] =	sst s5  }
0xe: {  	[smem:$0x3FB4] =	sst s6  }
0xf: {  	[smem:$0x3FB5] =	sst s7  }
0x10: {  	[smem:$0x3FB6] =	sst s8  }
0x11: {  	[smem:$0x3FB7] =	sst s9;
	s0 =	simm.s32 @!p0 $0x0  }
0x12: {  	s1 =	sld [smem:$0x3F9D];
	s0 =	simm.s32 @p0 $0x1  }
0x13: {  	[smem:$0x3FB8] =	sst s0;
	s0 =	simm.s32 @!p1 $0x0  }
0x14: {  	s2 =	sld [smem:$0x3F9C];
	s0 =	simm.s32 @p1 $0x1  }
0x15: {  	[smem:$0x3FB9] =	sst s0;
	s0 =	simm.s32 @!p2 $0x0  }
0x16: {  	s3 =	sld [smem:$0x3FDB];
	s0 =	simm.s32 @p2 $0x1  }
0x17: {  	s4 =	simm.s32 $0x1BF5;
	[smem:$0x3FBB] =	sst s0  }
0x18: {  	s0 =	sld [smem:$0x3F9E];
	_ =	swait.ge [sflag:s4], $0x0  }
0x19: {  	s7 =	sld [smem:$0x3F9F]  }
0x1a: {  	s8 =	sadd.s32 $0xFFFFE003, lr  }
0x1b: {  	s9 =	sadd.s32 $0xFFFFFEF7, lr;
	s5 =	simm.s32 $0xFFFFFFFF;
	p2 =	slt.u32 s8, $0xFFFFF086  }
0x1c: {  	p1 =	slt.u32 s9, $0xF7A;
	s5 =	simm.s32 @!p2 $0x0  }
0x1d: {  	s5 =	simm.s32 @p1 $0x1;
	p0 =	seq.s32 s7, s2  }
0x1e: {  	s7 =	smul.u32 @!p0 $0xF7A, s2;
	p2 =	seq.s32 @!p0 s5, $0x0  }
0x1f: {  	s9 =	smul.u32 $0xF7A, s1;
	s8 =	simm.s32 @!p0 $0x1BF5;
	p2 =	por !p2, p0  }
0x20: {  	[sflag:s8] =	ssyncset.s32 @!p0 $0xFFFFF086;
	s6 =	sadd.s32 @!p0 s3, s7;
	s7 =	simm.s32 @!p0 $0x108  }
0x21: {  	s3 =	sadd.s32 s3, s9;
	s6 =	sadd.s32 @!p0 $0x88, s6;
	s7 =	simm.s32 @p2 $0x1082  }
0x22: {  	[simem:s7], [sflag:s8] =	dma.local @!p0 [hbm:s6], $0xF7A  }
0x23: {  	s9 =	sor.u32 $0xD0000000, s2;
	s6 =	simm.s32 $0x108;
	_ =	swait.ge @!p0 [sflag:s8], $0x0  }
0x24: {  	s3 =	sadd.s32 $0x88, s3;
	s6 =	simm.s32 @!p1 $0x1082;
	[sflag:s4] =	ssyncset.s32 $0xFFFFF086  }
0x25: {  	[simem:s6], [sflag:s4] =	dma.local [hbm:s3], $0xF7A  }
0x26: {  	[smem:$0x3F9F] =	sst s1;
	(tag) =	ssettag s2;
	_ =	strace s9  }
0x27: {  	s1 =	sld [smem:$0x3FAF]  }
0x28: {  	s2 =	sld [smem:$0x3FB0]  }
0x29: {  	s4 =	sld [smem:$0x3FB2]  }
0x2a: {  	p0 =	seq.s32 s5, $0x0;
	s5 =	sld [smem:$0x3FB3]  }
0x2b: {  	s6 =	sld [smem:$0x3FB4]  }
0x2c: {  	s7 =	sld [smem:$0x3FB5]  }
0x2d: {  	s3 =	simm.s32 $0x108;
	s8 =	sld [smem:$0x3FB6]  }
0x2e: {  	s3 =	simm.s32 @!p0 $0x1082;
	s9 =	sld [smem:$0x3FB7]  }
0x2f: {  	lr =	sadd.s32 s0, s3;
	s0 =	sld [smem:$0x3FAE]  }
0x30: {  	s3 =	sld [smem:$0x3FB1]  }
0x31: {  	[smem:$0x3FBA] =	sst s10  }
0x32: {  	s10 =	sld [smem:$0x3FB8];
	_ =	sdelay $0x3  }
0x33: {  	p0 =	seq.s32 s10, $0x1;
	s10 =	sld [smem:$0x3FBA];
	_ =	sdelay $0x3  }
0x34: {  	[smem:$0x3FBA] =	sst s10  }
0x35: {  	s10 =	sld [smem:$0x3FB9];
	_ =	sdelay $0x3  }
0x36: {  	p1 =	seq.s32 s10, $0x1;
	s10 =	sld [smem:$0x3FBA];
	_ =	sdelay $0x3  }
0x37: {  	[smem:$0x3FBA] =	sst s10  }
0x38: {  	s10 =	sld [smem:$0x3FBB]  }
0x39: {  	_ = 	snop;
	(pc) =	sbr.ind lr, $3  }
0x3a: {  	_ = 	snop  }
0x3b: {  	_ = 	snop  }
0x3c: {  	p2 =	seq.s32 s10, $0x1;
	s10 =	sld [smem:$0x3FBA]  }
0x3d: {  	_ =	shalt  }
0x3e: {  	_ =	shalt  }
0x3f: {  	_ =	shalt  }
0x40: {  	_ =	shalt  }
0x41: {  	_ =	shalt  }
0x42: {  	_ =	shalt  }
0x43: {  	_ =	shalt  }
0x44: {  	_ =	shalt  }
0x45: {  	_ =	shalt  }
0x46: {  	_ =	shalt  }
0x47: {  	_ =	shalt  }
0x48: {  	_ =	shalt  }
0x49: {  	_ =	shalt  }
0x4a: {  	_ =	shalt  }
0x4b: {  	_ =	shalt  }
0x4c: {  	_ =	shalt  }
0x4d: {  	_ =	shalt  }
0x4e: {  	_ =	shalt  }
0x4f: {  	_ =	shalt  }
0x50: {  	_ =	shalt  }
0x51: {  	_ =	shalt  }
0x52: {  	_ =	shalt  }
0x53: {  	_ =	shalt  }
0x54: {  	_ =	shalt  }
0x55: {  	_ =	shalt  }
0x56: {  	_ =	shalt  }
0x57: {  	_ =	shalt  }
0x58: {  	_ =	shalt  }
0x59: {  	_ =	shalt  }
0x5a: {  	_ =	shalt  }
0x5b: {  	_ =	shalt  }
0x5c: {  	_ =	shalt  }
0x5d: {  	_ =	shalt  }
0x5e: {  	_ =	shalt  }
0x5f: {  	_ =	shalt  }
0x60: {  	_ =	shalt  }
0x61: {  	_ =	shalt  }
0x62: {  	_ =	shalt  }
0x63: {  	_ =	shalt  }
0x64: {  	_ =	shalt  }
0x65: {  	_ =	shalt  }
0x66: {  	_ =	shalt  }
0x67: {  	_ =	shalt  }
0x68: {  	_ =	shalt  }
0x69: {  	_ =	shalt  }
0x6a: {  	_ =	shalt  }
0x6b: {  	_ =	shalt  }
0x6c: {  	_ =	shalt  }
0x6d: {  	_ =	shalt  }
0x6e: {  	_ =	shalt  }
0x6f: {  	_ =	shalt  }
0x70: {  	_ =	shalt  }
0x71: {  	_ =	shalt  }
0x72: {  	_ =	shalt  }
0x73: {  	_ =	shalt  }
0x74: {  	_ =	shalt  }
0x75: {  	_ =	shalt  }
0x76: {  	_ =	shalt  }
0x77: {  	_ =	shalt  }
0x78: {  	_ =	shalt  }
0x79: {  	_ =	shalt  }
0x7a: {  	_ =	shalt  }
0x7b: {  	_ =	shalt  }
0x7c: {  	_ =	shalt  }
0x7d: {  	_ =	shalt  }
0x7e: {  	_ =	shalt  }
0x7f: {  	_ =	shalt  }
0x80: {  	_ =	shalt  }
0x81: {  	_ =	shalt  }
0x82: {  	_ =	shalt  }
0x83: {  	_ =	shalt  }
0x84: {  	_ =	shalt  }
0x85: {  	_ =	shalt  }
0x86: {  	_ =	shalt  }
0x87: {  	_ =	shalt  }
.Lfunc_end0:
.L_simem_size_0:
called_computation_lowered:
.L_overlay_start_0:
0x88: {  	s2 =	sld [smem:$0x3FD9]  }
0x89: {  	s3 =	sld [smem:$0x3FFE];
	_ =	sdelay $0x1  }
0x8a: {  	s1 =	srdreg.scid  }
0x8b: {  	s0 =	sand.u32 $0x1, s1  }
0x8c: {  	s17 =	sshll.u32 s0, $0xA;
	s2 =	sadd.s32 s3, s2  }
0x8d: {  	s2 =	sadd.s32 s2, s17  }
0x8e: {  	[smem:$0x3FC6] =	sst s2  }
0x8f: {  	_ = 	snop  }
0x90: {  	s2 =	sld [smem:$0x3FC9]  }
0x91: {  	s18 =	sld [smem:$0x3FD0];
	(tm) =	ssettm $0x1  }
0x92: {  	s4 =	sld [smem:$0x3FFB];
	_ =	sdelay $0x3  }
0x93: {  	_ =	strace s4  }
0x94: {  	s4 =	sld [smem:$0x3FFC];
	_ =	sdelay $0x3  }
0x95: {  	_ =	strace s4  }
0x96: {  	s4 =	sld [smem:$0x3FFD];
	_ =	sdelay $0x3  }
0x97: {  	_ =	strace s4  }
0x98: {  	_ =	strace $0x8FFFFFFF  }
0x99: {  	s19 =	sld [smem:$0x3FDB];
	_ =	sdelay $0x1  }
0x9a: {  	s5 =	simm.s32 $_scs_section_size  }
0x9b: {  	s6 =	simm.s32 $_size__tile_overlayer_lowered;
	s7 =	simm.s32 $_tile_overlayer_lowered  }
0x9c: {  	s22 =	simm.s32 $0x1BFF;
	s21 =	sshll.u32 s7, $0x1;
	s4 =	sadd.s32 s5, s19  }
0x9d: {  	s8 =	simm.s32 $0x0;
	s20 =	sshll.u32 s6, $0x1;
	s6 =	sadd.s32 s21, s4  }
0x9e: {  	[timem:s8], [sflag:s22] =	dma.local [hbm:s6], s20  }
0x9f: {  	_ =	swait.ge [sflag:s22], s20  }
0xa0: {  	s5 =	ssub.s32 $0x0, s20;
	[sflag:s22] =	ssyncset.done $0x0  }
0xa1: {  	[sflag:s22] =	ssyncadd.s32 s5;
	_ =	sdelay $0x1  }
0xa2: {  	s23 =	simm.s32 $0x1B8B  }
0xa3: {  	_ =	swait.ge [sflag:s23], $0x1  }
0xa4: {  	[sflag:s23] =	ssyncset.done $0x0  }
0xa5: {  	s25 =	simm.s32 $0x1B8E;
	s24 =	sld [smem:$0x3FFE];
	[sflag:s23] =	ssyncadd.s32 $0xFFFFFFFF  }
0xa6: {  	s26 =	simm.s32 $execute0_lowered;
	[smem:$0x3FD2] =	sst s25  }
0xa7: {  	s6 =	sshll.u32 s26, $0x1;
	_ =	strace $0x80000046;
	[dreg:$0x1] =	wrdreg $0xFFFFFFFF  }
0xa8: {  	s28 =	simm.s32 $_size_execute0_lowered;
	s4 =	sadd.s32 s4, s6;
	[dreg:$0x0] =	wrdreg $0x0  }
0xa9: {  	s6 =	sshll.u32 s28, $0x1;
	[dreg:$0x2] =	wrdreg s4  }
0xaa: {  	[dreg:$0x3] =	wrdreg s6  }
0xab: {  	[dreg:$0x4] =	wrdreg $0xC0  }
0xac: {  	_ =	task [dreg:s8], $0x5FFFF  }
0xad: {  	[dreg:$0x1] =	wrdreg $0xFFFFFFFF  }
0xae: {  	[dreg:$0x0] =	wrdreg $0x60  }
0xaf: {  	[dreg:$0x2] =	wrdreg s2  }
0xb0: {  	[dreg:$0x3] =	wrdreg s18  }
0xb1: {  	[dreg:$0x4] =	wrdreg s24  }
0xb2: {  	[dreg:$0x5] =	wrdreg $0x82000  }
0xb3: {  	[dreg:$0x6] =	wrdreg $0x9  }
0xb4: {  	_ =	task.clear_ibuf [dreg:s8], $0x7FFFF;
	_ =	strace $0x90000046  }
0xb5: {  	s29 =	simm.s32 $0x9;
	_ =	strace $0x80000048  }
0xb6: {  	_ =	swait.ge [sflag:s29], $0x1  }
0xb7: {  	[sflag:s29] =	ssyncadd.s32 $0xFFFFFFFF  }
0xb8: {  	_ =	strace $0x90000048  }
0xb9: {  	_ =	sfence  }
0xba: {  	s30 =	sld [smem:$0x0];
	_ =	sdelay $0x2  }
0xbb: {  	s31 =	sshll.u32 s1, $0xD;
	s1 =	sshrl.u32 s1, $0x2  }
0xbc: {  	s3 =	sand.u32 $0x4000, s31;
	s1 =	sadd.s32 s1, s30  }
0xbd: {  	s0 =	sor.u32 s3, s0;
	s1 =	sshll.u32 s1, $0x11  }
0xbe: {  	s0 =	sor.u32 s1, s0  }
0xbf: {  	s0 =	sadd.s32 $0x8F2B, s0  }
0xc0: {  	[sflag:s0] =	ssyncadd.remote.s32 $0x1  }
0xc1: {  	_ =	sfence.sel $0xFFFF  }
0xc2: {  	[dreg:$0x0] =	wrdreg $0xFFFFFFFF;
	(pc) =	sbr.abs _section_cstart, $3  }
0xc3: {  	[dreg:$0x1] =	wrdreg $0xFFFFFFFF  }
0xc4: {  	_ =	task.clear_ibuf [dreg:s8], $0x2FFFF;
	_ =	strace $0x9FFFFFFF  }
0xc5: {  	(tm) =	ssettm $0x7FFFFFFF  }
tec
execute0_lowered:
.L_overlay_start_1:
0x0: {  	(tag) =	ssettag $0x1  }
0x1: {  	s4 =	rddreg [dreg:$0x0]  }
0x2: {  	s5 =	rddreg [dreg:$0x1];
	s1 =	srdreg.scid  }
0x3: {  	s6 =	rddreg [dreg:$0x2];
	s0 =	stileid.u32  }
0x4: {  	s2 =	rddreg [dreg:$0x3];
	s3 =	simm.s32 $0x0;
	s1 =	sand.u32 $0x1, s1  }
0x5: {  	s7 =	sshll.u32 s0, $0xA;
	[smem:$0x7FF] =	sst s3;
	s23 =	sadd.s32 $0x3C00, s5  }
0x6: {  	p0 =	seq.s32 s0, $0xF;
	s8 =	sshll.u32 s1, $0x9;
	_ =	strace $0x80000047  }
0x7: {  	s22 =	sadd.s32 s5, s7;
	[dreg:$0x7] =	wrdreg s23;
	s8 =	sor.u32 s8, s7  }
0x8: {  	[dreg:$0x6] =	wrdreg s22;
	s9 =	sshrl.u32 s8, $0x3;
	s8 =	sshll.u32 s8, $0x4  }
0x9: {  	s4 =	sadd.s32 s4, s9;
	s31 =	sadd.s32 s8, s6;
	s8 =	rddreg [dreg:$0x7]  }
0xa: {  	s26 =	sshll.u32 s0, $0xD;
	[dreg:$0x5] =	wrdreg s4;
	s24 =	sadd.s32 $0x400, s31  }
0xb: {  	s5 =	simm.s32 @p0 $0x1FC4;
	s4 =	sadd.s32 $0x1E000, s2;
	[dreg:$0x8] =	wrdreg s24  }
0xc: {  	s6 =	simm.s32 @p0 $0x4;
	s25 =	rddreg [dreg:$0x5];
	s4 =	sshrl.u32 @p0 s4, $0x3  }
0xd: {  	[tilespmem:s3], [sflag:$0x1] =	stream.linear.gather [hbm4b:s25+s3], $0x200, $0x38;
	[tilespmem:$0xA140] =	vst v63  }
0xe: {  	[spmem:s4], [sflag:s5] =	dma.local @p0 [hbm:s8], $0x280  }
0xf: {  	s9 =	sadd.s32 s26, s2;
	s8 =	sshll.u32 @!p0 s0, $0x6;
	_ =	swait.ge @p0 [sflag:s6], $0x280  }
0x10: {  	s7 =	sor.u32 @!p0 $0x1C04, s8;
	s8 =	sshrl.u32 @!p0 s9, $0x3;
	[sflag:s6] =	ssyncset.done @p0 $0x0  }
0x11: {  	s9 =	simm.s32 @!p0 $0x4;
	s10 =	rddreg [dreg:$0x6];
	[sflag:s6] =	ssyncadd.s32 @p0 $0xFFFFFD80  }
0x12: {  	[spmem:s8], [sflag:s7] =	dma.local @!p0 [hbm:s10], $0x400  }
0x13: {  	_ =	swait.ge @!p0 [sflag:s9], $0x400  }
0x14: {  	[sflag:s9] =	ssyncset.done @!p0 $0x0  }
0x15: {  	[sflag:s9] =	ssyncadd.s32 @!p0 $0xFFFFFC00  }
0x16: {  	s10 =	simm.s32 $0x1;
	[bflag:$0x0] =	sbarrier.arrive $0xFFFF  }
0x17: {  	_ =	swait.ge [sflag:s10], $0x200  }
0x18: {  	[sflag:s10] =	ssyncset.done $0x0  }
0x19: {  	s11 =	simm.s32 $0x40;
	s12 =	simm.s32 $0x200;
	[sflag:s10] =	ssyncadd.s32 $0xFFFFFE00  }
0x1a: {  	[tilespmem:s12], [sflag:$0x2] =	stream.indirect.gather [spmem:s2], $0x80, s3, s11, $0xb8;
	[tilespmem:$0xA140] =	vst v63  }
0x1b: {  	s13 =	simm.s32 $0x2200  }
0x1c: {  	[tilespmem:s13], [sflag:$0x2] =	stream.indirect.gather [spmem:s2], $0x80, s11, s11, $0xb8;
	[tilespmem:$0xA140] =	vst v63  }
0x1d: {  	s14 =	simm.s32 $0x80;
	s15 =	simm.s32 $0x4200  }
0x1e: {  	[tilespmem:s15], [sflag:$0x2] =	stream.indirect.gather [spmem:s2], $0x80, s14, s11, $0xb8;
	[tilespmem:$0xA140] =	vst v63  }
0x1f: {  	s16 =	simm.s32 $0xC0;
	s17 =	simm.s32 $0x6200;
	s18 =	simm.s32 $0x2  }
0x20: {  	[tilespmem:s17], [sflag:$0x2] =	stream.indirect.gather [spmem:s2], $0x80, s16, s11, $0xb8;
	[tilespmem:$0xA140] =	vst v63  }
0x21: {  	_ =	swait.ge [sflag:s18], $0x2000  }
0x22: {  	[sflag:s18] =	ssyncset.done $0x0  }
0x23: {  	s19 =	simm.s32 $0x3;
	s20 =	rddreg [dreg:$0x8];
	[sflag:s18] =	ssyncadd.s32 $0xFFFFE000  }
0x24: {  	[hbm4b:s20+s3] =	stream.linear.scatter [tilespmem:s12], [sflag:$0x3], $0x2000, $0x38;
	[tilespmem:$0xA140] =	vst v63  }
0x25: {  	_ =	swait.ge [sflag:s19], $0x2000  }
0x26: {  	[sflag:s19] =	ssyncset.done $0x0  }
0x27: {  	s20 =	simm.s32 $0x100;
	[sflag:s19] =	ssyncadd.s32 $0xFFFFE000  }
0x28: {  	[tilespmem:s12], [sflag:$0x2] =	stream.indirect.gather [spmem:s2], $0x80, s20, s11, $0xb8;
	[tilespmem:$0xA140] =	vst v63  }
0x29: {  	_ =	swait.ge [sflag:s18], $0x2000  }
0x2a: {  	[sflag:s18] =	ssyncset.done $0x0  }
0x2b: {  	s21 =	sadd.s32 $0x800, s31;
	[sflag:s18] =	ssyncadd.s32 $0xFFFFE000  }
0x2c: {  	[hbm4b:s21+s3] =	stream.linear.scatter [tilespmem:s13], [sflag:$0x3], $0x2000, $0x38;
	[tilespmem:$0xA140] =	vst v63  }
0x2d: {  	_ =	swait.ge [sflag:s19], $0x2000  }
0x2e: {  	[sflag:s19] =	ssyncset.done $0x0  }
0x2f: {  	s22 =	simm.s32 $0x140;
	[sflag:s19] =	ssyncadd.s32 $0xFFFFE000  }
0x30: {  	[tilespmem:s13], [sflag:$0x2] =	stream.indirect.gather [spmem:s2], $0x80, s22, s11, $0xb8;
	[tilespmem:$0xA140] =	vst v63  }
0x31: {  	_ =	swait.ge [sflag:s18], $0x2000  }
0x32: {  	[sflag:s18] =	ssyncset.done $0x0  }
0x33: {  	s23 =	sadd.s32 $0xC00, s31;
	[sflag:s18] =	ssyncadd.s32 $0xFFFFE000  }
0x34: {  	[hbm4b:s23+s3] =	stream.linear.scatter [tilespmem:s15], [sflag:$0x3], $0x2000, $0x38;
	[tilespmem:$0xA140] =	vst v63  }
0x35: {  	_ =	swait.ge [sflag:s19], $0x2000  }
0x36: {  	[sflag:s19] =	ssyncset.done $0x0  }
0x37: {  	s24 =	simm.s32 $0x180;
	[sflag:s19] =	ssyncadd.s32 $0xFFFFE000  }
0x38: {  	[tilespmem:s15], [sflag:$0x2] =	stream.indirect.gather [spmem:s2], $0x80, s24, s11, $0xb8;
	[tilespmem:$0xA140] =	vst v63  }
0x39: {  	_ =	swait.ge [sflag:s18], $0x2000  }
0x3a: {  	[sflag:s18] =	ssyncset.done $0x0  }
0x3b: {  	s25 =	sadd.s32 $0x1000, s31;
	[sflag:s18] =	ssyncadd.s32 $0xFFFFE000  }
0x3c: {  	[hbm4b:s25+s3] =	stream.linear.scatter [tilespmem:s17], [sflag:$0x3], $0x2000, $0x38;
	[tilespmem:$0xA140] =	vst v63  }
0x3d: {  	_ =	swait.ge [sflag:s19], $0x2000  }
0x3e: {  	[sflag:s19] =	ssyncset.done $0x0  }
0x3f: {  	s26 =	simm.s32 $0x1C0;
	[sflag:s19] =	ssyncadd.s32 $0xFFFFE000  }
0x40: {  	[tilespmem:s17], [sflag:$0x2] =	stream.indirect.gather [spmem:s2], $0x80, s26, s11, $0xb8;
	[tilespmem:$0xA140] =	vst v63  }
0x41: {  	_ =	swait.ge [sflag:s18], $0x2000  }
0x42: {  	[sflag:s18] =	ssyncset.done $0x0  }
0x43: {  	s28 =	sadd.s32 $0x1400, s31;
	[sflag:s18] =	ssyncadd.s32 $0xFFFFE000  }
0x44: {  	[hbm4b:s28+s3] =	stream.linear.scatter [tilespmem:s12], [sflag:$0x3], $0x2000, $0x38;
	[tilespmem:$0xA140] =	vst v63  }
0x45: {  	_ =	swait.ge [sflag:s18], $0x2000  }
0x46: {  	[sflag:s18] =	ssyncset.done $0x0  }
0x47: {  	s29 =	sadd.s32 $0x1800, s31;
	[sflag:s18] =	ssyncadd.s32 $0xFFFFE000  }
0x48: {  	[hbm4b:s29+s3] =	stream.linear.scatter [tilespmem:s13], [sflag:$0x3], $0x2000, $0x38;
	[tilespmem:$0xA140] =	vst v63  }
0x49: {  	_ =	swait.ge [sflag:s18], $0x2000  }
0x4a: {  	[sflag:s18] =	ssyncset.done $0x0  }
0x4b: {  	s30 =	sadd.s32 $0x1C00, s31;
	[sflag:s18] =	ssyncadd.s32 $0xFFFFE000  }
0x4c: {  	[hbm4b:s30+s3] =	stream.linear.scatter [tilespmem:s15], [sflag:$0x3], $0x2000, $0x38;
	[tilespmem:$0xA140] =	vst v63  }
0x4d: {  	_ =	swait.ge [sflag:s18], $0x2000  }
0x4e: {  	[sflag:s18] =	ssyncset.done $0x0  }
0x4f: {  	s1 =	ssub.s32 $0x2, s1;
	s31 =	sadd.s32 $0x2000, s31;
	[sflag:s18] =	ssyncadd.s32 $0xFFFFE000  }
0x50: {  	[hbm4b:s31+s3] =	stream.linear.scatter [tilespmem:s17], [sflag:$0x3], $0x2000, $0x38;
	[tilespmem:$0xA140] =	vst v63  }
0x51: {  	s5 =	sshrl.u32 s1, $0x1;
	_ =	swait.ge [sflag:s19], $0x2000  }
0x52: {  	s0 =	ssub.s32 s1, s5;
	[sflag:s19] =	ssyncset.done $0x0  }
0x53: {  	s0 =	smax.u32 s0, $0x1;
	[sflag:s19] =	ssyncadd.s32 $0xFFFFE000  }
0x54: {  	s1 =	sadd.s32 $0xFFFFFFFF, s0;
	_ =	swait.ge [sflag:s19], $0x2000  }
0x55: {  	p1 =	sne.s32 s1, $0x0;
	[sflag:s19] =	ssyncset.done $0x0  }
.Ltmp0:
0x56: {  	[sflag:s19] =	ssyncadd.s32 $0xFFFFE000;
	(pc) =	sbr.rel @!p1 .LBB2_2-.Ltmp0, $4  }
0x57: {  	_ =	swait.ge [sflag:s19], $0x2000  }
0x58: {  	[sflag:s19] =	ssyncset.done $0x0  }
0x59: {  	[sflag:s19] =	ssyncadd.s32 $0xFFFFE000  }
0x5a: {  	_ =	swait.ge [sflag:s19], $0x2000  }
.LBB2_1:
0x5b: {  	[sflag:s19] =	ssyncset.done $0x0  }
0x5c: {  	s0 =	rddreg [dreg:$0x5];
	[sflag:s19] =	ssyncadd.s32 $0xFFFFE000  }
0x5d: {  	[tilespmem:s3], [sflag:$0x1] =	stream.linear.gather [hbm4b:s0+s3], $0x200, $0x38;
	[tilespmem:$0xA140] =	vst v63  }
0x5e: {  	s5 =	rddreg [dreg:$0x7];
	s0 =	simm.s32 @p0 $0x1FC4  }
0x5f: {  	[spmem:s4], [sflag:s0] =	dma.local @p0 [hbm:s5], $0x280  }
0x60: {  	_ =	swait.ge @p0 [sflag:s6], $0x280  }
0x61: {  	[sflag:s6] =	ssyncset.done @p0 $0x0  }
0x62: {  	s0 =	rddreg [dreg:$0x6];
	[sflag:s6] =	ssyncadd.s32 @p0 $0xFFFFFD80  }
0x63: {  	[spmem:s8], [sflag:s7] =	dma.local @!p0 [hbm:s0], $0x400  }
0x64: {  	_ =	swait.ge @!p0 [sflag:s9], $0x400  }
0x65: {  	[sflag:s9] =	ssyncset.done @!p0 $0x0  }
0x66: {  	[sflag:s9] =	ssyncadd.s32 @!p0 $0xFFFFFC00  }
0x67: {  	[bflag:$0x0] =	sbarrier.arrive $0xFFFF  }
0x68: {  	_ =	swait.ge [sflag:s10], $0x200  }
0x69: {  	[sflag:s10] =	ssyncset.done $0x0  }
0x6a: {  	[sflag:s10] =	ssyncadd.s32 $0xFFFFFE00  }
0x6b: {  	[tilespmem:s12], [sflag:$0x2] =	stream.indirect.gather [spmem:s2], $0x80, s3, s11, $0xb8;
	[tilespmem:$0xA140] =	vst v63  }
0x6c: {  	_ = 	snop  }
0x6d: {  	[tilespmem:s13], [sflag:$0x2] =	stream.indirect.gather [spmem:s2], $0x80, s11, s11, $0xb8;
	[tilespmem:$0xA140] =	vst v63  }
0x6e: {  	_ = 	snop  }
0x6f: {  	[tilespmem:s15], [sflag:$0x2] =	stream.indirect.gather [spmem:s2], $0x80, s14, s11, $0xb8;
	[tilespmem:$0xA140] =	vst v63  }
0x70: {  	_ = 	snop  }
0x71: {  	[tilespmem:s17], [sflag:$0x2] =	stream.indirect.gather [spmem:s2], $0x80, s16, s11, $0xb8;
	[tilespmem:$0xA140] =	vst v63  }
0x72: {  	_ =	swait.ge [sflag:s18], $0x2000  }
0x73: {  	[sflag:s18] =	ssyncset.done $0x0  }
0x74: {  	s5 =	rddreg [dreg:$0x8];
	[sflag:s18] =	ssyncadd.s32 $0xFFFFE000  }
0x75: {  	[hbm4b:s5+s3] =	stream.linear.scatter [tilespmem:s12], [sflag:$0x3], $0x2000, $0x38;
	[tilespmem:$0xA140] =	vst v63  }
0x76: {  	_ =	swait.ge [sflag:s19], $0x2000  }
0x77: {  	[sflag:s19] =	ssyncset.done $0x0  }
0x78: {  	[sflag:s19] =	ssyncadd.s32 $0xFFFFE000  }
0x79: {  	[tilespmem:s12], [sflag:$0x2] =	stream.indirect.gather [spmem:s2], $0x80, s20, s11, $0xb8;
	[tilespmem:$0xA140] =	vst v63  }
0x7a: {  	_ =	swait.ge [sflag:s18], $0x2000  }
0x7b: {  	[sflag:s18] =	ssyncset.done $0x0  }
0x7c: {  	[sflag:s18] =	ssyncadd.s32 $0xFFFFE000  }
0x7d: {  	[hbm4b:s21+s3] =	stream.linear.scatter [tilespmem:s13], [sflag:$0x3], $0x2000, $0x38;
	[tilespmem:$0xA140] =	vst v63  }
0x7e: {  	_ =	swait.ge [sflag:s19], $0x2000  }
0x7f: {  	[sflag:s19] =	ssyncset.done $0x0  }
0x80: {  	[sflag:s19] =	ssyncadd.s32 $0xFFFFE000  }
0x81: {  	[tilespmem:s13], [sflag:$0x2] =	stream.indirect.gather [spmem:s2], $0x80, s22, s11, $0xb8;
	[tilespmem:$0xA140] =	vst v63  }
0x82: {  	_ =	swait.ge [sflag:s18], $0x2000  }
0x83: {  	[sflag:s18] =	ssyncset.done $0x0  }
0x84: {  	[sflag:s18] =	ssyncadd.s32 $0xFFFFE000  }
0x85: {  	[hbm4b:s23+s3] =	stream.linear.scatter [tilespmem:s15], [sflag:$0x3], $0x2000, $0x38;
	[tilespmem:$0xA140] =	vst v63  }
0x86: {  	_ =	swait.ge [sflag:s19], $0x2000  }
0x87: {  	[sflag:s19] =	ssyncset.done $0x0  }
0x88: {  	[sflag:s19] =	ssyncadd.s32 $0xFFFFE000  }
0x89: {  	[tilespmem:s15], [sflag:$0x2] =	stream.indirect.gather [spmem:s2], $0x80, s24, s11, $0xb8;
	[tilespmem:$0xA140] =	vst v63  }
0x8a: {  	_ =	swait.ge [sflag:s18], $0x2000  }
0x8b: {  	[sflag:s18] =	ssyncset.done $0x0  }
0x8c: {  	[sflag:s18] =	ssyncadd.s32 $0xFFFFE000  }
0x8d: {  	[hbm4b:s25+s3] =	stream.linear.scatter [tilespmem:s17], [sflag:$0x3], $0x2000, $0x38;
	[tilespmem:$0xA140] =	vst v63  }
0x8e: {  	_ =	swait.ge [sflag:s19], $0x2000  }
0x8f: {  	[sflag:s19] =	ssyncset.done $0x0  }
0x90: {  	[sflag:s19] =	ssyncadd.s32 $0xFFFFE000  }
0x91: {  	[tilespmem:s17], [sflag:$0x2] =	stream.indirect.gather [spmem:s2], $0x80, s26, s11, $0xb8;
	[tilespmem:$0xA140] =	vst v63  }
0x92: {  	_ =	swait.ge [sflag:s18], $0x2000  }
0x93: {  	[sflag:s18] =	ssyncset.done $0x0  }
0x94: {  	[sflag:s18] =	ssyncadd.s32 $0xFFFFE000  }
0x95: {  	[hbm4b:s28+s3] =	stream.linear.scatter [tilespmem:s12], [sflag:$0x3], $0x2000, $0x38;
	[tilespmem:$0xA140] =	vst v63  }
0x96: {  	_ =	swait.ge [sflag:s18], $0x2000  }
0x97: {  	[sflag:s18] =	ssyncset.done $0x0  }
0x98: {  	[sflag:s18] =	ssyncadd.s32 $0xFFFFE000  }
0x99: {  	[hbm4b:s29+s3] =	stream.linear.scatter [tilespmem:s13], [sflag:$0x3], $0x2000, $0x38;
	[tilespmem:$0xA140] =	vst v63  }
0x9a: {  	_ =	swait.ge [sflag:s18], $0x2000  }
0x9b: {  	[sflag:s18] =	ssyncset.done $0x0  }
0x9c: {  	[sflag:s18] =	ssyncadd.s32 $0xFFFFE000  }
0x9d: {  	[hbm4b:s30+s3] =	stream.linear.scatter [tilespmem:s15], [sflag:$0x3], $0x2000, $0x38;
	[tilespmem:$0xA140] =	vst v63  }
0x9e: {  	_ =	swait.ge [sflag:s18], $0x2000  }
0x9f: {  	[sflag:s18] =	ssyncset.done $0x0  }
0xa0: {  	[sflag:s18] =	ssyncadd.s32 $0xFFFFE000  }
0xa1: {  	[hbm4b:s31+s3] =	stream.linear.scatter [tilespmem:s17], [sflag:$0x3], $0x2000, $0x38;
	[tilespmem:$0xA140] =	vst v63  }
0xa2: {  	_ =	swait.ge [sflag:s19], $0x2000  }
0xa3: {  	[sflag:s19] =	ssyncset.done $0x0  }
0xa4: {  	[sflag:s19] =	ssyncadd.s32 $0xFFFFE000  }
0xa5: {  	s1 =	sadd.s32 $0xFFFFFFFF, s1;
	_ =	swait.ge [sflag:s19], $0x2000  }
0xa6: {  	p1 =	sne.s32 s1, $0x0;
	[sflag:s19] =	ssyncset.done $0x0  }
.Ltmp1:
0xa7: {  	[sflag:s19] =	ssyncadd.s32 $0xFFFFE000;
	(pc) =	sbr.rel @p1 .LBB2_1-.Ltmp1, $4  }
0xa8: {  	_ =	swait.ge [sflag:s19], $0x2000  }
0xa9: {  	[sflag:s19] =	ssyncset.done $0x0  }
0xaa: {  	[sflag:s19] =	ssyncadd.s32 $0xFFFFE000  }
0xab: {  	_ =	swait.ge [sflag:s19], $0x2000  }
.LBB2_2:
0xac: {  	[sflag:s19] =	ssyncset.done $0x0  }
0xad: {  	[sflag:s19] =	ssyncadd.s32 $0xFFFFE000  }
0xae: {  	_ =	sfence.sel $0x180000  }
0xaf: {  	[bflag:$0x0] =	sbarrier.arrive $0xFFFF  }
0xb0: {  	_ =	strace $0x90000047  }
0xb1: {  	s0 =	stileid.u32;
	[bflag:$0x2] =	sbarrier.arrive $0xFFFF  }
0xb2: {  	p0 =	sne.s32 s0, $0x0;
	s0 =	rddreg [dreg:$0x4]  }
0xb3: {  	s0 =	sadd.s32 @!p0 $0x100000, s0  }
0xb4: {  	[sflag:s0] =	ssyncadd.tile.s32 @!p0 $0x1;
	_ =	shalt  }
.Lfunc_end2:
_tile_overlayer_lowered:
.L_overlay_start_2:
0xb5: {  	(tag) =	ssettag $0x2  }
0xb6: {  	s0 =	rddreg [dreg:$0x0];
	s2 =	stileid.u32  }
0xb7: {  	s1 =	rddreg [dreg:$0x1];
	p0 =	sne.s32 s2, $0x0  }
0xb8: {  	s3 =	rddreg [dreg:$0x2];
	[bflag:$0x3] =	sbarrier.arrive $0xFFFF;
	s2 =	simm.s32 @!p0 $0x1C04  }
0xb9: {  	[timem:s3], [sflag:s2] =	dma.local @!p0 [hbm:s0], s1  }
0xba: {  	s0 =	simm.s32 @!p0 $0x4  }
0xbb: {  	_ =	swait.ge @!p0 [sflag:s0], s1  }
0xbc: {  	s1 =	ssub.s32 @!p0 $0x0, s1;
	[sflag:s0] =	ssyncset.done @!p0 $0x0  }
0xbd: {  	[sflag:s0] =	ssyncadd.s32 @!p0 s1  }
0xbe: {  	[bflag:$0x3] =	sbarrier.arrive $0xFFFF  }
0xbf: {  	_ =	shalt  }

</sc_bundles>
